<compile_context>
chip_gen: v7x
topology: tpu7x:2x2x1
jax: 0.10.2.dev20260603
libtpu: 0.0.44.dev20260713+nightly
codegen_flags: <defaults>
</compile_context>

<pallas_src>
import functools

import jax
import jax.numpy as jnp
from jax import lax
from jax.experimental import pallas as pl
from jax.experimental.pallas import tpu as pltpu
from jax.experimental.pallas import tpu_sc as plsc

K_CODES = 8192
DIM = 256
N_TOK = 8192
COMMIT = 0.25

TN = 256
TK = 512
NT_E = N_TOK // TN
TN_F = 1024
NT_F = N_TOK // TN_F


def _argmin_body(x_ref, embt_ref, esq_ref, idx_ref, enc_ref, pc_ref):
    x = jnp.transpose(x_ref[0])
    x2 = x + x
    xsq = jnp.sum(x * x, axis=1, keepdims=True)
    best = jnp.full((TN, 1), jnp.inf, dtype=jnp.float32)
    btf = jnp.zeros((TN, 1), dtype=jnp.float32)
    dwin = jnp.zeros((TN, TK), dtype=jnp.float32)
    for j in range(K_CODES // TK):
        e = embt_ref[j * TK:(j + 1) * TK, :]
        mm2 = lax.dot_general(x2, e, (((1,), (1,)), ((), ())),
                              preferred_element_type=jnp.float32)
        d = (xsq + esq_ref[:, j * TK:(j + 1) * TK]) - mm2
        lmin = jnp.min(d, axis=1, keepdims=True)
        upd = lmin < best
        dwin = jnp.where(upd, d, dwin)
        btf = jnp.where(upd, float(j * TK), btf)
        best = jnp.where(upd, lmin, best)
    iif = lax.broadcasted_iota(jnp.int32, (TN, TK), 1).astype(jnp.float32)
    bidxf = jnp.min(jnp.where(dwin == best, iif, 3.0e7), axis=1,
                    keepdims=True) + btf
    bidx = bidxf.astype(jnp.int32)
    idx_ref[...] = bidx
    ones = jnp.ones((8, TN), dtype=jnp.float32)
    ch = 1024
    for k in range(K_CODES // ch):
        ii = lax.broadcasted_iota(jnp.int32, (TN, ch), 1) + k * ch
        enc = (ii == bidx).astype(jnp.float32)
        enc_ref[:, k * ch:(k + 1) * ch] = enc
        pc_ref[0, 0, k * ch:(k + 1) * ch] = jnp.dot(
            ones, enc, preferred_element_type=jnp.float32)[0]


def _final_body(x_ref, q_ref, pc_ref, qst_ref, loss_ref, perp_ref, acc_ref):
    t = pl.program_id(0)
    xt = x_ref[0]
    qt = jnp.transpose(q_ref[...])
    diff = qt - xt
    qst_ref[...] = (xt + diff)[None]
    psum = jnp.sum(diff * diff)
    prev = jnp.where(t == 0, 0.0, acc_ref[0, 0])
    acc_ref[0, 0] = prev + psum

    @pl.when(t == NT_F - 1)
    def _():
        m = acc_ref[0, 0] * (1.0 / (N_TOK * DIM))
        loss_ref[...] = (m + COMMIT * m)[None, None]
        pc = pc_ref[...].reshape(NT_E, K_CODES)
        counts = jnp.sum(pc, axis=0)
        p = counts * (1.0 / N_TOK)
        ent = jnp.sum(p * jnp.log(p + 1e-10))
        perp_ref[...] = jnp.exp(-ent)[None, None]


_NW = 32
_B_PER_W = N_TOK // _NW


def _sc_gather(emb_w, idx):
    mesh = plsc.VectorSubcoreMesh(core_axis_name="c", subcore_axis_name="s")

    @functools.partial(
        pl.kernel, mesh=mesh,
        out_type=jax.ShapeDtypeStruct((N_TOK, DIM), jnp.float32),
        scratch_types=[
            pltpu.VMEM((_B_PER_W,), jnp.int32),
            pltpu.VMEM((_B_PER_W, DIM), jnp.float32),
            pltpu.SemaphoreType.DMA,
        ],
    )
    def k(table_hbm, idx_hbm, out_hbm, idx_v, rows_v, sem):
        wid = lax.axis_index("s") * 2 + lax.axis_index("c")
        base = wid * _B_PER_W
        pltpu.sync_copy(idx_hbm.at[pl.ds(base, _B_PER_W)], idx_v)
        pltpu.async_copy(table_hbm.at[idx_v], rows_v, sem).wait()
        pltpu.sync_copy(rows_v, out_hbm.at[pl.ds(base, _B_PER_W)])

    return k(emb_w, idx)


def kernel(inputs, emb_w):
    nb, _, nh, nw = inputs.shape
    in3 = inputs.reshape(nb, DIM, nh * nw)
    esq = jnp.sum(emb_w ** 2, axis=1)[None, :]
    tpb = (nh * nw) // TN

    idx2, enc, pc = pl.pallas_call(
        _argmin_body,
        grid=(N_TOK // TN,),
        in_specs=[
            pl.BlockSpec((1, DIM, TN), lambda i: (i // tpb, 0, i % tpb)),
            pl.BlockSpec((K_CODES, DIM), lambda i: (0, 0)),
            pl.BlockSpec((1, K_CODES), lambda i: (0, 0)),
        ],
        out_specs=[
            pl.BlockSpec((TN, 1), lambda i: (i, 0)),
            pl.BlockSpec((TN, K_CODES), lambda i: (i, 0)),
            pl.BlockSpec((1, 1, K_CODES), lambda i: (i, 0, 0)),
        ],
        out_shape=[
            jax.ShapeDtypeStruct((N_TOK, 1), jnp.int32),
            jax.ShapeDtypeStruct((N_TOK, K_CODES), jnp.float32),
            jax.ShapeDtypeStruct((NT_E, 1, K_CODES), jnp.float32),
        ],
        compiler_params=pltpu.CompilerParams(
            dimension_semantics=("parallel",)),
    )(in3, emb_w, esq)

    idx = idx2.reshape(N_TOK)
    q = _sc_gather(emb_w, idx)

    qst, loss11, perp11 = pl.pallas_call(
        _final_body,
        grid=(NT_F,),
        in_specs=[
            pl.BlockSpec((1, DIM, TN_F), lambda i: (i, 0, 0)),
            pl.BlockSpec((TN_F, DIM), lambda i: (i, 0)),
            pl.BlockSpec((NT_E, 1, K_CODES), lambda i: (0, 0, 0)),
        ],
        out_specs=[
            pl.BlockSpec((1, DIM, TN_F), lambda i: (i, 0, 0)),
            pl.BlockSpec((1, 1), lambda i: (0, 0)),
            pl.BlockSpec((1, 1), lambda i: (0, 0)),
        ],
        out_shape=[
            jax.ShapeDtypeStruct((NT_F, DIM, TN_F), jnp.float32),
            jax.ShapeDtypeStruct((1, 1), jnp.float32),
            jax.ShapeDtypeStruct((1, 1), jnp.float32),
        ],
        scratch_shapes=[pltpu.SMEM((1, 1), jnp.float32)],
        compiler_params=pltpu.CompilerParams(
            dimension_semantics=("arbitrary",)),
    )(in3, q, pc)

    loss = loss11[0, 0]
    perplexity = perp11[0, 0]
    quantized_out = qst.reshape(nb, DIM, nh, nw)
    indices = idx.reshape(nb, nh, nw)[:, None, :, :]
    return (loss, quantized_out, perplexity, enc, indices)

# --- scband reference (transcript-rebuilt; emitter-appended) ---
"""Pipeline reference for scband-vector-quantizer-54906861912274 (READ-ONLY COPY).

The authoritative reference and input builder live on the scoring server;
editing this copy changes nothing except your own understanding.
"""

import jax, jax.numpy as jnp
import numpy as np

NUM_EMBEDDINGS = 8192
EMBEDDING_DIM = 256
COMMITMENT_COST = 0.25


def setup_inputs(seed: int = 0) -> dict:
    key = jax.random.key(seed)
    k1, k2 = jax.random.split(key)
    inputs = jax.random.normal(k1, (8, 256, 32, 32), dtype=jnp.float32)
    emb_w = jax.random.uniform(k2, (NUM_EMBEDDINGS, EMBEDDING_DIM), dtype=jnp.float32,
                               minval=-1.0 / NUM_EMBEDDINGS, maxval=1.0 / NUM_EMBEDDINGS)
    return {"inputs": inputs, "emb_w": emb_w}


def reference(inputs, emb_w):
    # inputs: [B, C, H, W] -> [B, H, W, C]
    x = jnp.transpose(inputs, (0, 2, 3, 1))
    input_shape = x.shape
    flat = x.reshape(-1, EMBEDDING_DIM)
    distances = (jnp.sum(flat ** 2, axis=1, keepdims=True)
                 + jnp.sum(emb_w ** 2, axis=1)
                 - 2.0 * jnp.matmul(flat, emb_w.T))
    encoding_indices = jnp.argmin(distances, axis=1)
    indices = encoding_indices.reshape(input_shape[:-1])[:, None, :, :]
    encodings = jax.nn.one_hot(encoding_indices, NUM_EMBEDDINGS, dtype=jnp.float32)
    quantized = jnp.matmul(encodings, emb_w).reshape(input_shape)
    e_latent_loss = jnp.mean((jax.lax.stop_gradient(quantized) - x) ** 2)
    q_latent_loss = jnp.mean((quantized - jax.lax.stop_gradient(x)) ** 2)
    loss = q_latent_loss + COMMITMENT_COST * e_latent_loss
    quantized_st = x + jax.lax.stop_gradient(quantized - x)
    avg_probs = jnp.mean(encodings, axis=0)
    perplexity = jnp.exp(-jnp.sum(avg_probs * jnp.log(avg_probs + 1e-10)))
    quantized_out = jnp.transpose(quantized_st, (0, 3, 1, 2))
    return (loss, quantized_out, perplexity, encodings, indices)

if __name__ == "__main__":
    import jax
    _d = setup_inputs()
    print(jax.jit(kernel)(*tuple(_d.values())))

</pallas_src>

<mosaic_0001>
#map = affine_map<(d0, d1) -> (0, 0)>
#map1 = affine_map<(d0, d1) -> (0)>
module attributes {stable_mosaic.version = 14 : i64} {
  func.func @k(%arg0: i32, %arg1: i32, %arg2: memref<8192x256xf32, #tpu.memory_space<hbm>>, %arg3: memref<8192xi32, #tpu.memory_space<hbm>>, %arg4: memref<8192x256xf32, #tpu.memory_space<hbm>>, %arg5: memref<256xi32, #tpu.memory_space<vmem>>, %arg6: memref<256x256xf32, #tpu.memory_space<vmem>>, %arg7: memref<!tpu.dma_semaphore, #tpu.memory_space<semaphore_mem>>) attributes {dimension_semantics = [#tpu.dimension_semantics<core_parallel>, #tpu.dimension_semantics<subcore_parallel>], iteration_bounds = array<i64: 2, 16>, scalar_prefetch = 0 : i64, scratch_operands = 3 : i64, tpu.core_type = #tpu.core_type<sc_vector_subcore>, window_params = [{transform_indices = #map}, {transform_indices = #map1}, {transform_indices = #map}]} {
    %mul3A = arith.constant 2 : i32
    %mul3A_0 = arith.muli %arg1, %mul3A : i32
    %add3A = arith.addi %mul3A_0, %arg0 : i32
    %mul3A_1 = arith.constant 256 : i32
    %mul3A_2 = arith.muli %add3A, %mul3A_1 : i32
    "tpu.region"() ({
      %run_scoped3A = tpu.sem_alloc : memref<!tpu.dma_semaphore, #tpu.memory_space<semaphore_mem>>
      %dma_start3A_7 = tpu.memref_slice %arg3[%mul3A_2] : memref<8192xi32, #tpu.memory_space<hbm>> -> memref<256xi32, #tpu.memory_space<hbm>>
      %dma_start3A_8 = tpu.memref_slice %arg3[%mul3A_2] : memref<8192xi32, #tpu.memory_space<hbm>> -> memref<256xi32, #tpu.memory_space<hbm>>
      tpu.enqueue_dma source(%dma_start3A_8 : memref<256xi32, #tpu.memory_space<hbm>>) target(%arg5 : memref<256xi32, #tpu.memory_space<vmem>>) target_semaphore(%run_scoped3A : memref<!tpu.dma_semaphore, #tpu.memory_space<semaphore_mem>>)
      %dma_wait3A_9 = tpu.memref_slice %arg3[%mul3A_2] : memref<8192xi32, #tpu.memory_space<hbm>> -> memref<256xi32, #tpu.memory_space<hbm>>
      %dma_wait3A_10 = tpu.memref_slice %arg3[%mul3A_2] : memref<8192xi32, #tpu.memory_space<hbm>> -> memref<256xi32, #tpu.memory_space<hbm>>
      tpu.wait_dma2 semaphore(%run_scoped3A : memref<!tpu.dma_semaphore, #tpu.memory_space<semaphore_mem>>) src(%dma_wait3A_10 : memref<256xi32, #tpu.memory_space<hbm>>) dst(%arg5 : memref<256xi32, #tpu.memory_space<vmem>>)
      tpu.yield
    }) : () -> ()
    %dma_start3A = arith.constant 0 : i32
    %dma_start3A_3 = arith.constant 0 : i32
    %dma_start3A_4 = tpu.memref_slice %arg2[%dma_start3A, %dma_start3A_3] : memref<8192x256xf32, #tpu.memory_space<hbm>> -> memref<8192x256xf32, #tpu.memory_space<hbm>>
    tpu.enqueue_indirect_dma source(%dma_start3A_4 : memref<8192x256xf32, #tpu.memory_space<hbm>>) target(%arg6 : memref<256x256xf32, #tpu.memory_space<vmem>>) offsets(%arg5 : memref<256xi32, #tpu.memory_space<vmem>>) semaphore(%arg7 : memref<!tpu.dma_semaphore, #tpu.memory_space<semaphore_mem>>)
    %dma_wait3A = arith.constant 0 : i32
    %dma_wait3A_5 = arith.constant 0 : i32
    %dma_wait3A_6 = tpu.memref_slice %arg2[%dma_wait3A, %dma_wait3A_5] : memref<8192x256xf32, #tpu.memory_space<hbm>> -> memref<8192x256xf32, #tpu.memory_space<hbm>>
    tpu.wait_indirect_dma semaphore(%arg7 : memref<!tpu.dma_semaphore, #tpu.memory_space<semaphore_mem>>) src(%dma_wait3A_6 : memref<8192x256xf32, #tpu.memory_space<hbm>>) dst(%arg6 : memref<256x256xf32, #tpu.memory_space<vmem>>)
    "tpu.region"() ({
      %run_scoped3A = tpu.sem_alloc : memref<!tpu.dma_semaphore, #tpu.memory_space<semaphore_mem>>
      %dma_start3A_7 = arith.constant 0 : i32
      %dma_start3A_8 = tpu.memref_slice %arg4[%mul3A_2, %dma_start3A_7] : memref<8192x256xf32, #tpu.memory_space<hbm>> -> memref<256x256xf32, #tpu.memory_space<hbm>>
      %dma_start3A_9 = arith.constant 0 : i32
      %dma_start3A_10 = tpu.memref_slice %arg4[%mul3A_2, %dma_start3A_9] : memref<8192x256xf32, #tpu.memory_space<hbm>> -> memref<256x256xf32, #tpu.memory_space<hbm>>
      tpu.enqueue_dma source(%arg6 : memref<256x256xf32, #tpu.memory_space<vmem>>) target(%dma_start3A_10 : memref<256x256xf32, #tpu.memory_space<hbm>>) target_semaphore(%run_scoped3A : memref<!tpu.dma_semaphore, #tpu.memory_space<semaphore_mem>>)
      %dma_wait3A_11 = arith.constant 0 : i32
      %dma_wait3A_12 = tpu.memref_slice %arg4[%mul3A_2, %dma_wait3A_11] : memref<8192x256xf32, #tpu.memory_space<hbm>> -> memref<256x256xf32, #tpu.memory_space<hbm>>
      %dma_wait3A_13 = arith.constant 0 : i32
      %dma_wait3A_14 = tpu.memref_slice %arg4[%mul3A_2, %dma_wait3A_13] : memref<8192x256xf32, #tpu.memory_space<hbm>> -> memref<256x256xf32, #tpu.memory_space<hbm>>
      tpu.wait_dma2 semaphore(%run_scoped3A : memref<!tpu.dma_semaphore, #tpu.memory_space<semaphore_mem>>) src(%arg6 : memref<256x256xf32, #tpu.memory_space<vmem>>) dst(%dma_wait3A_14 : memref<256x256xf32, #tpu.memory_space<hbm>>)
      tpu.yield
    }) : () -> ()
    return
  }
}

module attributes {stable_mosaic.version = 14 : i64} {
  func.func @_argmin_body(%arg0: i32, %arg1: memref<1x256x256xf32, #tpu.memory_space<vmem>>, %arg2: memref<8192x256xf32, #tpu.memory_space<vmem>>, %arg3: memref<1x8192xf32, #tpu.memory_space<vmem>>, %arg4: memref<256x1xi32, #tpu.memory_space<vmem>>, %arg5: memref<256x8192xf32, #tpu.memory_space<vmem>>, %arg6: memref<1x1x8192xf32, #tpu.memory_space<vmem>>) attributes {dimension_semantics = [#tpu.dimension_semantics<parallel>], iteration_bounds = array<i64: 32>, scalar_prefetch = 0 : i64, scratch_operands = 0 : i64, tpu.core_type = #tpu.core_type<tc>, window_params = [{transform_indices = @transform_0, window_bounds = array<i64: 1, 256, 256>}, {pipeline_mode = #tpu.pipeline_mode<synchronous>, transform_indices = @transform_1, window_bounds = array<i64: 8192, 256>}, {pipeline_mode = #tpu.pipeline_mode<synchronous>, transform_indices = @transform_2, window_bounds = array<i64: 1, 8192>}, {transform_indices = @transform_3, window_bounds = array<i64: 256, 1>}, {transform_indices = @transform_4, window_bounds = array<i64: 256, 8192>}, {transform_indices = @transform_5, window_bounds = array<i64: 1, 1, 8192>}]} {
    %get3A = arith.constant 0 : index
    %get3A_0 = arith.constant 0 : index
    %get3A_1 = arith.constant 0 : index
    %get3A_2 = vector.load %arg1[%get3A, %get3A_0, %get3A_1] : memref<1x256x256xf32, #tpu.memory_space<vmem>>, vector<1x256x256xf32>
    %get3A_3 = vector.shape_cast %get3A_2 : vector<1x256x256xf32> to vector<256x256xf32>
    %transpose3A = tpu.transpose %get3A_3, [1, 0] : vector<256x256xf32> -> vector<256x256xf32>
    %add3A = arith.addf %transpose3A, %transpose3A : vector<256x256xf32>
    %mul3A = arith.mulf %transpose3A, %transpose3A : vector<256x256xf32>
    %reduce_sum3A = arith.constant dense<0.000000e+00> : vector<256xf32>
    %reduce_sum3A_4 = vector.multi_reduction <add>, %mul3A, %reduce_sum3A [1] : vector<256x256xf32> to vector<256xf32>
    %broadcast_in_dim3A = vector.shape_cast %reduce_sum3A_4 : vector<256xf32> to vector<256x1xf32>
    %broadcast_in_dim3A_5 = arith.constant 0x7F800000 : f32
    %broadcast_in_dim3A_6 = vector.broadcast %broadcast_in_dim3A_5 : f32 to vector<256x1xf32>
    %broadcast_in_dim3A_7 = arith.constant 0.000000e+00 : f32
    %broadcast_in_dim3A_8 = vector.broadcast %broadcast_in_dim3A_7 : f32 to vector<256x1xf32>
    %broadcast_in_dim3A_9 = arith.constant 0.000000e+00 : f32
    %broadcast_in_dim3A_10 = vector.broadcast %broadcast_in_dim3A_9 : f32 to vector<256x512xf32>
    %get3A_11 = arith.constant 0 : index
    %get3A_12 = arith.constant 0 : index
    %get3A_13 = vector.load %arg2[%get3A_11, %get3A_12] : memref<8192x256xf32, #tpu.memory_space<vmem>>, vector<512x256xf32>
    %dot_general3A = arith.constant dense<0.000000e+00> : vector<256x512xf32>
    %dot_general3A_14 = tpu.matmul %add3A, %get3A_13, %dot_general3A {dimension_numbers = #tpu.dot_dimension_numbers<[1], [1], [0], [0], [0, 0, 1, 0], [], []>, transpose_lhs_hint = false} : vector<256x256xf32>, vector<512x256xf32>, vector<256x512xf32> -> vector<256x512xf32>
    %get3A_15 = arith.constant 0 : index
    %get3A_16 = arith.constant 0 : index
    %get3A_17 = vector.load %arg3[%get3A_15, %get3A_16] : memref<1x8192xf32, #tpu.memory_space<vmem>>, vector<1x512xf32>
    %add3A_18 = vector.broadcast %broadcast_in_dim3A : vector<256x1xf32> to vector<256x512xf32>
    %add3A_19 = vector.broadcast %get3A_17 : vector<1x512xf32> to vector<256x512xf32>
    %add3A_20 = arith.addf %add3A_18, %add3A_19 : vector<256x512xf32>
    %sub3A = arith.subf %add3A_20, %dot_general3A_14 : vector<256x512xf32>
    %reduce_min3A = arith.constant dense<0x7F800000> : vector<256xf32>
    %reduce_min3A_21 = vector.multi_reduction <minimumf>, %sub3A, %reduce_min3A [1] : vector<256x512xf32> to vector<256xf32>
    %broadcast_in_dim3A_22 = vector.shape_cast %reduce_min3A_21 : vector<256xf32> to vector<256x1xf32>
    %lt3A = arith.cmpf olt, %broadcast_in_dim3A_22, %broadcast_in_dim3A_6 : vector<256x1xf32>
    %broadcast_in_dim3A_23 = vector.shape_cast %lt3A : vector<256x1xi1> to vector<256x1xi1>
    %broadcast_in_dim3A_24 = vector.broadcast %broadcast_in_dim3A_23 : vector<256x1xi1> to vector<256x512xi1>
    %select_n3A = arith.select %broadcast_in_dim3A_24, %sub3A, %broadcast_in_dim3A_10 : vector<256x512xi1>, vector<256x512xf32>
    %jit3A = arith.constant 0.000000e+00 : f32
    %broadcast_in_dim3A_25 = vector.broadcast %jit3A : f32 to vector<256x1xf32>
    %select_n3A_26 = arith.select %lt3A, %broadcast_in_dim3A_25, %broadcast_in_dim3A_8 : vector<256x1xi1>, vector<256x1xf32>
    %select_n3A_27 = arith.select %lt3A, %broadcast_in_dim3A_22, %broadcast_in_dim3A_6 : vector<256x1xi1>, vector<256x1xf32>
    %get3A_28 = arith.constant 512 : index
    %get3A_29 = arith.constant 0 : index
    %get3A_30 = vector.load %arg2[%get3A_28, %get3A_29] : memref<8192x256xf32, #tpu.memory_space<vmem>>, vector<512x256xf32>
    %dot_general3A_31 = arith.constant dense<0.000000e+00> : vector<256x512xf32>
    %dot_general3A_32 = tpu.matmul %add3A, %get3A_30, %dot_general3A_31 {dimension_numbers = #tpu.dot_dimension_numbers<[1], [1], [0], [0], [0, 0, 1, 0], [], []>, transpose_lhs_hint = false} : vector<256x256xf32>, vector<512x256xf32>, vector<256x512xf32> -> vector<256x512xf32>
    %get3A_33 = arith.constant 0 : index
    %get3A_34 = arith.constant 512 : index
    %get3A_35 = vector.load %arg3[%get3A_33, %get3A_34] : memref<1x8192xf32, #tpu.memory_space<vmem>>, vector<1x512xf32>
    %add3A_36 = vector.broadcast %broadcast_in_dim3A : vector<256x1xf32> to vector<256x512xf32>
    %add3A_37 = vector.broadcast %get3A_35 : vector<1x512xf32> to vector<256x512xf32>
    %add3A_38 = arith.addf %add3A_36, %add3A_37 : vector<256x512xf32>
    %sub3A_39 = arith.subf %add3A_38, %dot_general3A_32 : vector<256x512xf32>
    %reduce_min3A_40 = arith.constant dense<0x7F800000> : vector<256xf32>
    %reduce_min3A_41 = vector.multi_reduction <minimumf>, %sub3A_39, %reduce_min3A_40 [1] : vector<256x512xf32> to vector<256xf32>
    %broadcast_in_dim3A_42 = vector.shape_cast %reduce_min3A_41 : vector<256xf32> to vector<256x1xf32>
    %lt3A_43 = arith.cmpf olt, %broadcast_in_dim3A_42, %select_n3A_27 : vector<256x1xf32>
    %broadcast_in_dim3A_44 = vector.shape_cast %lt3A_43 : vector<256x1xi1> to vector<256x1xi1>
    %broadcast_in_dim3A_45 = vector.broadcast %broadcast_in_dim3A_44 : vector<256x1xi1> to vector<256x512xi1>
    %select_n3A_46 = arith.select %broadcast_in_dim3A_45, %sub3A_39, %select_n3A : vector<256x512xi1>, vector<256x512xf32>
    %jit3A_47 = arith.constant 5.120000e+02 : f32
    %broadcast_in_dim3A_48 = vector.broadcast %jit3A_47 : f32 to vector<256x1xf32>
    %select_n3A_49 = arith.select %lt3A_43, %broadcast_in_dim3A_48, %select_n3A_26 : vector<256x1xi1>, vector<256x1xf32>
    %select_n3A_50 = arith.select %lt3A_43, %broadcast_in_dim3A_42, %select_n3A_27 : vector<256x1xi1>, vector<256x1xf32>
    %get3A_51 = arith.constant 1024 : index
    %get3A_52 = arith.constant 0 : index
    %get3A_53 = vector.load %arg2[%get3A_51, %get3A_52] : memref<8192x256xf32, #tpu.memory_space<vmem>>, vector<512x256xf32>
    %dot_general3A_54 = arith.constant dense<0.000000e+00> : vector<256x512xf32>
    %dot_general3A_55 = tpu.matmul %add3A, %get3A_53, %dot_general3A_54 {dimension_numbers = #tpu.dot_dimension_numbers<[1], [1], [0], [0], [0, 0, 1, 0], [], []>, transpose_lhs_hint = false} : vector<256x256xf32>, vector<512x256xf32>, vector<256x512xf32> -> vector<256x512xf32>
    %get3A_56 = arith.constant 0 : index
    %get3A_57 = arith.constant 1024 : index
    %get3A_58 = vector.load %arg3[%get3A_56, %get3A_57] : memref<1x8192xf32, #tpu.memory_space<vmem>>, vector<1x512xf32>
    %add3A_59 = vector.broadcast %broadcast_in_dim3A : vector<256x1xf32> to vector<256x512xf32>
    %add3A_60 = vector.broadcast %get3A_58 : vector<1x512xf32> to vector<256x512xf32>
    %add3A_61 = arith.addf %add3A_59, %add3A_60 : vector<256x512xf32>
    %sub3A_62 = arith.subf %add3A_61, %dot_general3A_55 : vector<256x512xf32>
    %reduce_min3A_63 = arith.constant dense<0x7F800000> : vector<256xf32>
    %reduce_min3A_64 = vector.multi_reduction <minimumf>, %sub3A_62, %reduce_min3A_63 [1] : vector<256x512xf32> to vector<256xf32>
    %broadcast_in_dim3A_65 = vector.shape_cast %reduce_min3A_64 : vector<256xf32> to vector<256x1xf32>
    %lt3A_66 = arith.cmpf olt, %broadcast_in_dim3A_65, %select_n3A_50 : vector<256x1xf32>
    %broadcast_in_dim3A_67 = vector.shape_cast %lt3A_66 : vector<256x1xi1> to vector<256x1xi1>
    %broadcast_in_dim3A_68 = vector.broadcast %broadcast_in_dim3A_67 : vector<256x1xi1> to vector<256x512xi1>
    %select_n3A_69 = arith.select %broadcast_in_dim3A_68, %sub3A_62, %select_n3A_46 : vector<256x512xi1>, vector<256x512xf32>
    %jit3A_70 = arith.constant 1.024000e+03 : f32
    %broadcast_in_dim3A_71 = vector.broadcast %jit3A_70 : f32 to vector<256x1xf32>
    %select_n3A_72 = arith.select %lt3A_66, %broadcast_in_dim3A_71, %select_n3A_49 : vector<256x1xi1>, vector<256x1xf32>
    %select_n3A_73 = arith.select %lt3A_66, %broadcast_in_dim3A_65, %select_n3A_50 : vector<256x1xi1>, vector<256x1xf32>
    %get3A_74 = arith.constant 1536 : index
    %get3A_75 = arith.constant 0 : index
    %get3A_76 = vector.load %arg2[%get3A_74, %get3A_75] : memref<8192x256xf32, #tpu.memory_space<vmem>>, vector<512x256xf32>
    %dot_general3A_77 = arith.constant dense<0.000000e+00> : vector<256x512xf32>
    %dot_general3A_78 = tpu.matmul %add3A, %get3A_76, %dot_general3A_77 {dimension_numbers = #tpu.dot_dimension_numbers<[1], [1], [0], [0], [0, 0, 1, 0], [], []>, transpose_lhs_hint = false} : vector<256x256xf32>, vector<512x256xf32>, vector<256x512xf32> -> vector<256x512xf32>
    %get3A_79 = arith.constant 0 : index
    %get3A_80 = arith.constant 1536 : index
    %get3A_81 = vector.load %arg3[%get3A_79, %get3A_80] : memref<1x8192xf32, #tpu.memory_space<vmem>>, vector<1x512xf32>
    %add3A_82 = vector.broadcast %broadcast_in_dim3A : vector<256x1xf32> to vector<256x512xf32>
    %add3A_83 = vector.broadcast %get3A_81 : vector<1x512xf32> to vector<256x512xf32>
    %add3A_84 = arith.addf %add3A_82, %add3A_83 : vector<256x512xf32>
    %sub3A_85 = arith.subf %add3A_84, %dot_general3A_78 : vector<256x512xf32>
    %reduce_min3A_86 = arith.constant dense<0x7F800000> : vector<256xf32>
    %reduce_min3A_87 = vector.multi_reduction <minimumf>, %sub3A_85, %reduce_min3A_86 [1] : vector<256x512xf32> to vector<256xf32>
    %broadcast_in_dim3A_88 = vector.shape_cast %reduce_min3A_87 : vector<256xf32> to vector<256x1xf32>
    %lt3A_89 = arith.cmpf olt, %broadcast_in_dim3A_88, %select_n3A_73 : vector<256x1xf32>
    %broadcast_in_dim3A_90 = vector.shape_cast %lt3A_89 : vector<256x1xi1> to vector<256x1xi1>
    %broadcast_in_dim3A_91 = vector.broadcast %broadcast_in_dim3A_90 : vector<256x1xi1> to vector<256x512xi1>
    %select_n3A_92 = arith.select %broadcast_in_dim3A_91, %sub3A_85, %select_n3A_69 : vector<256x512xi1>, vector<256x512xf32>
    %jit3A_93 = arith.constant 1.536000e+03 : f32
    %broadcast_in_dim3A_94 = vector.broadcast %jit3A_93 : f32 to vector<256x1xf32>
    %select_n3A_95 = arith.select %lt3A_89, %broadcast_in_dim3A_94, %select_n3A_72 : vector<256x1xi1>, vector<256x1xf32>
    %select_n3A_96 = arith.select %lt3A_89, %broadcast_in_dim3A_88, %select_n3A_73 : vector<256x1xi1>, vector<256x1xf32>
    %get3A_97 = arith.constant 2048 : index
    %get3A_98 = arith.constant 0 : index
    %get3A_99 = vector.load %arg2[%get3A_97, %get3A_98] : memref<8192x256xf32, #tpu.memory_space<vmem>>, vector<512x256xf32>
    %dot_general3A_100 = arith.constant dense<0.000000e+00> : vector<256x512xf32>
    %dot_general3A_101 = tpu.matmul %add3A, %get3A_99, %dot_general3A_100 {dimension_numbers = #tpu.dot_dimension_numbers<[1], [1], [0], [0], [0, 0, 1, 0], [], []>, transpose_lhs_hint = false} : vector<256x256xf32>, vector<512x256xf32>, vector<256x512xf32> -> vector<256x512xf32>
    %get3A_102 = arith.constant 0 : index
    %get3A_103 = arith.constant 2048 : index
    %get3A_104 = vector.load %arg3[%get3A_102, %get3A_103] : memref<1x8192xf32, #tpu.memory_space<vmem>>, vector<1x512xf32>
    %add3A_105 = vector.broadcast %broadcast_in_dim3A : vector<256x1xf32> to vector<256x512xf32>
    %add3A_106 = vector.broadcast %get3A_104 : vector<1x512xf32> to vector<256x512xf32>
    %add3A_107 = arith.addf %add3A_105, %add3A_106 : vector<256x512xf32>
    %sub3A_108 = arith.subf %add3A_107, %dot_general3A_101 : vector<256x512xf32>
    %reduce_min3A_109 = arith.constant dense<0x7F800000> : vector<256xf32>
    %reduce_min3A_110 = vector.multi_reduction <minimumf>, %sub3A_108, %reduce_min3A_109 [1] : vector<256x512xf32> to vector<256xf32>
    %broadcast_in_dim3A_111 = vector.shape_cast %reduce_min3A_110 : vector<256xf32> to vector<256x1xf32>
    %lt3A_112 = arith.cmpf olt, %broadcast_in_dim3A_111, %select_n3A_96 : vector<256x1xf32>
    %broadcast_in_dim3A_113 = vector.shape_cast %lt3A_112 : vector<256x1xi1> to vector<256x1xi1>
    %broadcast_in_dim3A_114 = vector.broadcast %broadcast_in_dim3A_113 : vector<256x1xi1> to vector<256x512xi1>
    %select_n3A_115 = arith.select %broadcast_in_dim3A_114, %sub3A_108, %select_n3A_92 : vector<256x512xi1>, vector<256x512xf32>
    %jit3A_116 = arith.constant 2.048000e+03 : f32
    %broadcast_in_dim3A_117 = vector.broadcast %jit3A_116 : f32 to vector<256x1xf32>
    %select_n3A_118 = arith.select %lt3A_112, %broadcast_in_dim3A_117, %select_n3A_95 : vector<256x1xi1>, vector<256x1xf32>
    %select_n3A_119 = arith.select %lt3A_112, %broadcast_in_dim3A_111, %select_n3A_96 : vector<256x1xi1>, vector<256x1xf32>
    %get3A_120 = arith.constant 2560 : index
    %get3A_121 = arith.constant 0 : index
    %get3A_122 = vector.load %arg2[%get3A_120, %get3A_121] : memref<8192x256xf32, #tpu.memory_space<vmem>>, vector<512x256xf32>
    %dot_general3A_123 = arith.constant dense<0.000000e+00> : vector<256x512xf32>
    %dot_general3A_124 = tpu.matmul %add3A, %get3A_122, %dot_general3A_123 {dimension_numbers = #tpu.dot_dimension_numbers<[1], [1], [0], [0], [0, 0, 1, 0], [], []>, transpose_lhs_hint = false} : vector<256x256xf32>, vector<512x256xf32>, vector<256x512xf32> -> vector<256x512xf32>
    %get3A_125 = arith.constant 0 : index
    %get3A_126 = arith.constant 2560 : index
    %get3A_127 = vector.load %arg3[%get3A_125, %get3A_126] : memref<1x8192xf32, #tpu.memory_space<vmem>>, vector<1x512xf32>
    %add3A_128 = vector.broadcast %broadcast_in_dim3A : vector<256x1xf32> to vector<256x512xf32>
    %add3A_129 = vector.broadcast %get3A_127 : vector<1x512xf32> to vector<256x512xf32>
    %add3A_130 = arith.addf %add3A_128, %add3A_129 : vector<256x512xf32>
    %sub3A_131 = arith.subf %add3A_130, %dot_general3A_124 : vector<256x512xf32>
    %reduce_min3A_132 = arith.constant dense<0x7F800000> : vector<256xf32>
    %reduce_min3A_133 = vector.multi_reduction <minimumf>, %sub3A_131, %reduce_min3A_132 [1] : vector<256x512xf32> to vector<256xf32>
    %broadcast_in_dim3A_134 = vector.shape_cast %reduce_min3A_133 : vector<256xf32> to vector<256x1xf32>
    %lt3A_135 = arith.cmpf olt, %broadcast_in_dim3A_134, %select_n3A_119 : vector<256x1xf32>
    %broadcast_in_dim3A_136 = vector.shape_cast %lt3A_135 : vector<256x1xi1> to vector<256x1xi1>
    %broadcast_in_dim3A_137 = vector.broadcast %broadcast_in_dim3A_136 : vector<256x1xi1> to vector<256x512xi1>
    %select_n3A_138 = arith.select %broadcast_in_dim3A_137, %sub3A_131, %select_n3A_115 : vector<256x512xi1>, vector<256x512xf32>
    %jit3A_139 = arith.constant 2.560000e+03 : f32
    %broadcast_in_dim3A_140 = vector.broadcast %jit3A_139 : f32 to vector<256x1xf32>
    %select_n3A_141 = arith.select %lt3A_135, %broadcast_in_dim3A_140, %select_n3A_118 : vector<256x1xi1>, vector<256x1xf32>
    %select_n3A_142 = arith.select %lt3A_135, %broadcast_in_dim3A_134, %select_n3A_119 : vector<256x1xi1>, vector<256x1xf32>
    %get3A_143 = arith.constant 3072 : index
    %get3A_144 = arith.constant 0 : index
    %get3A_145 = vector.load %arg2[%get3A_143, %get3A_144] : memref<8192x256xf32, #tpu.memory_space<vmem>>, vector<512x256xf32>
    %dot_general3A_146 = arith.constant dense<0.000000e+00> : vector<256x512xf32>
    %dot_general3A_147 = tpu.matmul %add3A, %get3A_145, %dot_general3A_146 {dimension_numbers = #tpu.dot_dimension_numbers<[1], [1], [0], [0], [0, 0, 1, 0], [], []>, transpose_lhs_hint = false} : vector<256x256xf32>, vector<512x256xf32>, vector<256x512xf32> -> vector<256x512xf32>
    %get3A_148 = arith.constant 0 : index
    %get3A_149 = arith.constant 3072 : index
    %get3A_150 = vector.load %arg3[%get3A_148, %get3A_149] : memref<1x8192xf32, #tpu.memory_space<vmem>>, vector<1x512xf32>
    %add3A_151 = vector.broadcast %broadcast_in_dim3A : vector<256x1xf32> to vector<256x512xf32>
    %add3A_152 = vector.broadcast %get3A_150 : vector<1x512xf32> to vector<256x512xf32>
    %add3A_153 = arith.addf %add3A_151, %add3A_152 : vector<256x512xf32>
    %sub3A_154 = arith.subf %add3A_153, %dot_general3A_147 : vector<256x512xf32>
    %reduce_min3A_155 = arith.constant dense<0x7F800000> : vector<256xf32>
    %reduce_min3A_156 = vector.multi_reduction <minimumf>, %sub3A_154, %reduce_min3A_155 [1] : vector<256x512xf32> to vector<256xf32>
    %broadcast_in_dim3A_157 = vector.shape_cast %reduce_min3A_156 : vector<256xf32> to vector<256x1xf32>
    %lt3A_158 = arith.cmpf olt, %broadcast_in_dim3A_157, %select_n3A_142 : vector<256x1xf32>
    %broadcast_in_dim3A_159 = vector.shape_cast %lt3A_158 : vector<256x1xi1> to vector<256x1xi1>
    %broadcast_in_dim3A_160 = vector.broadcast %broadcast_in_dim3A_159 : vector<256x1xi1> to vector<256x512xi1>
    %select_n3A_161 = arith.select %broadcast_in_dim3A_160, %sub3A_154, %select_n3A_138 : vector<256x512xi1>, vector<256x512xf32>
    %jit3A_162 = arith.constant 3.072000e+03 : f32
    %broadcast_in_dim3A_163 = vector.broadcast %jit3A_162 : f32 to vector<256x1xf32>
    %select_n3A_164 = arith.select %lt3A_158, %broadcast_in_dim3A_163, %select_n3A_141 : vector<256x1xi1>, vector<256x1xf32>
    %select_n3A_165 = arith.select %lt3A_158, %broadcast_in_dim3A_157, %select_n3A_142 : vector<256x1xi1>, vector<256x1xf32>
    %get3A_166 = arith.constant 3584 : index
    %get3A_167 = arith.constant 0 : index
    %get3A_168 = vector.load %arg2[%get3A_166, %get3A_167] : memref<8192x256xf32, #tpu.memory_space<vmem>>, vector<512x256xf32>
    %dot_general3A_169 = arith.constant dense<0.000000e+00> : vector<256x512xf32>
    %dot_general3A_170 = tpu.matmul %add3A, %get3A_168, %dot_general3A_169 {dimension_numbers = #tpu.dot_dimension_numbers<[1], [1], [0], [0], [0, 0, 1, 0], [], []>, transpose_lhs_hint = false} : vector<256x256xf32>, vector<512x256xf32>, vector<256x512xf32> -> vector<256x512xf32>
    %get3A_171 = arith.constant 0 : index
    %get3A_172 = arith.constant 3584 : index
    %get3A_173 = vector.load %arg3[%get3A_171, %get3A_172] : memref<1x8192xf32, #tpu.memory_space<vmem>>, vector<1x512xf32>
    %add3A_174 = vector.broadcast %broadcast_in_dim3A : vector<256x1xf32> to vector<256x512xf32>
    %add3A_175 = vector.broadcast %get3A_173 : vector<1x512xf32> to vector<256x512xf32>
    %add3A_176 = arith.addf %add3A_174, %add3A_175 : vector<256x512xf32>
    %sub3A_177 = arith.subf %add3A_176, %dot_general3A_170 : vector<256x512xf32>
    %reduce_min3A_178 = arith.constant dense<0x7F800000> : vector<256xf32>
    %reduce_min3A_179 = vector.multi_reduction <minimumf>, %sub3A_177, %reduce_min3A_178 [1] : vector<256x512xf32> to vector<256xf32>
    %broadcast_in_dim3A_180 = vector.shape_cast %reduce_min3A_179 : vector<256xf32> to vector<256x1xf32>
    %lt3A_181 = arith.cmpf olt, %broadcast_in_dim3A_180, %select_n3A_165 : vector<256x1xf32>
    %broadcast_in_dim3A_182 = vector.shape_cast %lt3A_181 : vector<256x1xi1> to vector<256x1xi1>
    %broadcast_in_dim3A_183 = vector.broadcast %broadcast_in_dim3A_182 : vector<256x1xi1> to vector<256x512xi1>
    %select_n3A_184 = arith.select %broadcast_in_dim3A_183, %sub3A_177, %select_n3A_161 : vector<256x512xi1>, vector<256x512xf32>
    %jit3A_185 = arith.constant 3.584000e+03 : f32
    %broadcast_in_dim3A_186 = vector.broadcast %jit3A_185 : f32 to vector<256x1xf32>
    %select_n3A_187 = arith.select %lt3A_181, %broadcast_in_dim3A_186, %select_n3A_164 : vector<256x1xi1>, vector<256x1xf32>
    %select_n3A_188 = arith.select %lt3A_181, %broadcast_in_dim3A_180, %select_n3A_165 : vector<256x1xi1>, vector<256x1xf32>
    %get3A_189 = arith.constant 4096 : index
    %get3A_190 = arith.constant 0 : index
    %get3A_191 = vector.load %arg2[%get3A_189, %get3A_190] : memref<8192x256xf32, #tpu.memory_space<vmem>>, vector<512x256xf32>
    %dot_general3A_192 = arith.constant dense<0.000000e+00> : vector<256x512xf32>
    %dot_general3A_193 = tpu.matmul %add3A, %get3A_191, %dot_general3A_192 {dimension_numbers = #tpu.dot_dimension_numbers<[1], [1], [0], [0], [0, 0, 1, 0], [], []>, transpose_lhs_hint = false} : vector<256x256xf32>, vector<512x256xf32>, vector<256x512xf32> -> vector<256x512xf32>
    %get3A_194 = arith.constant 0 : index
    %get3A_195 = arith.constant 4096 : index
    %get3A_196 = vector.load %arg3[%get3A_194, %get3A_195] : memref<1x8192xf32, #tpu.memory_space<vmem>>, vector<1x512xf32>
    %add3A_197 = vector.broadcast %broadcast_in_dim3A : vector<256x1xf32> to vector<256x512xf32>
    %add3A_198 = vector.broadcast %get3A_196 : vector<1x512xf32> to vector<256x512xf32>
    %add3A_199 = arith.addf %add3A_197, %add3A_198 : vector<256x512xf32>
    %sub3A_200 = arith.subf %add3A_199, %dot_general3A_193 : vector<256x512xf32>
    %reduce_min3A_201 = arith.constant dense<0x7F800000> : vector<256xf32>
    %reduce_min3A_202 = vector.multi_reduction <minimumf>, %sub3A_200, %reduce_min3A_201 [1] : vector<256x512xf32> to vector<256xf32>
    %broadcast_in_dim3A_203 = vector.shape_cast %reduce_min3A_202 : vector<256xf32> to vector<256x1xf32>
    %lt3A_204 = arith.cmpf olt, %broadcast_in_dim3A_203, %select_n3A_188 : vector<256x1xf32>
    %broadcast_in_dim3A_205 = vector.shape_cast %lt3A_204 : vector<256x1xi1> to vector<256x1xi1>
    %broadcast_in_dim3A_206 = vector.broadcast %broadcast_in_dim3A_205 : vector<256x1xi1> to vector<256x512xi1>
    %select_n3A_207 = arith.select %broadcast_in_dim3A_206, %sub3A_200, %select_n3A_184 : vector<256x512xi1>, vector<256x512xf32>
    %jit3A_208 = arith.constant 4.096000e+03 : f32
    %broadcast_in_dim3A_209 = vector.broadcast %jit3A_208 : f32 to vector<256x1xf32>
    %select_n3A_210 = arith.select %lt3A_204, %broadcast_in_dim3A_209, %select_n3A_187 : vector<256x1xi1>, vector<256x1xf32>
    %select_n3A_211 = arith.select %lt3A_204, %broadcast_in_dim3A_203, %select_n3A_188 : vector<256x1xi1>, vector<256x1xf32>
    %get3A_212 = arith.constant 4608 : index
    %get3A_213 = arith.constant 0 : index
    %get3A_214 = vector.load %arg2[%get3A_212, %get3A_213] : memref<8192x256xf32, #tpu.memory_space<vmem>>, vector<512x256xf32>
    %dot_general3A_215 = arith.constant dense<0.000000e+00> : vector<256x512xf32>
    %dot_general3A_216 = tpu.matmul %add3A, %get3A_214, %dot_general3A_215 {dimension_numbers = #tpu.dot_dimension_numbers<[1], [1], [0], [0], [0, 0, 1, 0], [], []>, transpose_lhs_hint = false} : vector<256x256xf32>, vector<512x256xf32>, vector<256x512xf32> -> vector<256x512xf32>
    %get3A_217 = arith.constant 0 : index
    %get3A_218 = arith.constant 4608 : index
    %get3A_219 = vector.load %arg3[%get3A_217, %get3A_218] : memref<1x8192xf32, #tpu.memory_space<vmem>>, vector<1x512xf32>
    %add3A_220 = vector.broadcast %broadcast_in_dim3A : vector<256x1xf32> to vector<256x512xf32>
    %add3A_221 = vector.broadcast %get3A_219 : vector<1x512xf32> to vector<256x512xf32>
    %add3A_222 = arith.addf %add3A_220, %add3A_221 : vector<256x512xf32>
    %sub3A_223 = arith.subf %add3A_222, %dot_general3A_216 : vector<256x512xf32>
    %reduce_min3A_224 = arith.constant dense<0x7F800000> : vector<256xf32>
    %reduce_min3A_225 = vector.multi_reduction <minimumf>, %sub3A_223, %reduce_min3A_224 [1] : vector<256x512xf32> to vector<256xf32>
    %broadcast_in_dim3A_226 = vector.shape_cast %reduce_min3A_225 : vector<256xf32> to vector<256x1xf32>
    %lt3A_227 = arith.cmpf olt, %broadcast_in_dim3A_226, %select_n3A_211 : vector<256x1xf32>
    %broadcast_in_dim3A_228 = vector.shape_cast %lt3A_227 : vector<256x1xi1> to vector<256x1xi1>
    %broadcast_in_dim3A_229 = vector.broadcast %broadcast_in_dim3A_228 : vector<256x1xi1> to vector<256x512xi1>
    %select_n3A_230 = arith.select %broadcast_in_dim3A_229, %sub3A_223, %select_n3A_207 : vector<256x512xi1>, vector<256x512xf32>
    %jit3A_231 = arith.constant 4.608000e+03 : f32
    %broadcast_in_dim3A_232 = vector.broadcast %jit3A_231 : f32 to vector<256x1xf32>
    %select_n3A_233 = arith.select %lt3A_227, %broadcast_in_dim3A_232, %select_n3A_210 : vector<256x1xi1>, vector<256x1xf32>
    %select_n3A_234 = arith.select %lt3A_227, %broadcast_in_dim3A_226, %select_n3A_211 : vector<256x1xi1>, vector<256x1xf32>
    %get3A_235 = arith.constant 5120 : index
    %get3A_236 = arith.constant 0 : index
    %get3A_237 = vector.load %arg2[%get3A_235, %get3A_236] : memref<8192x256xf32, #tpu.memory_space<vmem>>, vector<512x256xf32>
    %dot_general3A_238 = arith.constant dense<0.000000e+00> : vector<256x512xf32>
    %dot_general3A_239 = tpu.matmul %add3A, %get3A_237, %dot_general3A_238 {dimension_numbers = #tpu.dot_dimension_numbers<[1], [1], [0], [0], [0, 0, 1, 0], [], []>, transpose_lhs_hint = false} : vector<256x256xf32>, vector<512x256xf32>, vector<256x512xf32> -> vector<256x512xf32>
    %get3A_240 = arith.constant 0 : index
    %get3A_241 = arith.constant 5120 : index
    %get3A_242 = vector.load %arg3[%get3A_240, %get3A_241] : memref<1x8192xf32, #tpu.memory_space<vmem>>, vector<1x512xf32>
    %add3A_243 = vector.broadcast %broadcast_in_dim3A : vector<256x1xf32> to vector<256x512xf32>
    %add3A_244 = vector.broadcast %get3A_242 : vector<1x512xf32> to vector<256x512xf32>
    %add3A_245 = arith.addf %add3A_243, %add3A_244 : vector<256x512xf32>
    %sub3A_246 = arith.subf %add3A_245, %dot_general3A_239 : vector<256x512xf32>
    %reduce_min3A_247 = arith.constant dense<0x7F800000> : vector<256xf32>
    %reduce_min3A_248 = vector.multi_reduction <minimumf>, %sub3A_246, %reduce_min3A_247 [1] : vector<256x512xf32> to vector<256xf32>
    %broadcast_in_dim3A_249 = vector.shape_cast %reduce_min3A_248 : vector<256xf32> to vector<256x1xf32>
    %lt3A_250 = arith.cmpf olt, %broadcast_in_dim3A_249, %select_n3A_234 : vector<256x1xf32>
    %broadcast_in_dim3A_251 = vector.shape_cast %lt3A_250 : vector<256x1xi1> to vector<256x1xi1>
    %broadcast_in_dim3A_252 = vector.broadcast %broadcast_in_dim3A_251 : vector<256x1xi1> to vector<256x512xi1>
    %select_n3A_253 = arith.select %broadcast_in_dim3A_252, %sub3A_246, %select_n3A_230 : vector<256x512xi1>, vector<256x512xf32>
    %jit3A_254 = arith.constant 5.120000e+03 : f32
    %broadcast_in_dim3A_255 = vector.broadcast %jit3A_254 : f32 to vector<256x1xf32>
    %select_n3A_256 = arith.select %lt3A_250, %broadcast_in_dim3A_255, %select_n3A_233 : vector<256x1xi1>, vector<256x1xf32>
    %select_n3A_257 = arith.select %lt3A_250, %broadcast_in_dim3A_249, %select_n3A_234 : vector<256x1xi1>, vector<256x1xf32>
    %get3A_258 = arith.constant 5632 : index
    %get3A_259 = arith.constant 0 : index
    %get3A_260 = vector.load %arg2[%get3A_258, %get3A_259] : memref<8192x256xf32, #tpu.memory_space<vmem>>, vector<512x256xf32>
    %dot_general3A_261 = arith.constant dense<0.000000e+00> : vector<256x512xf32>
    %dot_general3A_262 = tpu.matmul %add3A, %get3A_260, %dot_general3A_261 {dimension_numbers = #tpu.dot_dimension_numbers<[1], [1], [0], [0], [0, 0, 1, 0], [], []>, transpose_lhs_hint = false} : vector<256x256xf32>, vector<512x256xf32>, vector<256x512xf32> -> vector<256x512xf32>
    %get3A_263 = arith.constant 0 : index
    %get3A_264 = arith.constant 5632 : index
    %get3A_265 = vector.load %arg3[%get3A_263, %get3A_264] : memref<1x8192xf32, #tpu.memory_space<vmem>>, vector<1x512xf32>
    %add3A_266 = vector.broadcast %broadcast_in_dim3A : vector<256x1xf32> to vector<256x512xf32>
    %add3A_267 = vector.broadcast %get3A_265 : vector<1x512xf32> to vector<256x512xf32>
    %add3A_268 = arith.addf %add3A_266, %add3A_267 : vector<256x512xf32>
    %sub3A_269 = arith.subf %add3A_268, %dot_general3A_262 : vector<256x512xf32>
    %reduce_min3A_270 = arith.constant dense<0x7F800000> : vector<256xf32>
    %reduce_min3A_271 = vector.multi_reduction <minimumf>, %sub3A_269, %reduce_min3A_270 [1] : vector<256x512xf32> to vector<256xf32>
    %broadcast_in_dim3A_272 = vector.shape_cast %reduce_min3A_271 : vector<256xf32> to vector<256x1xf32>
    %lt3A_273 = arith.cmpf olt, %broadcast_in_dim3A_272, %select_n3A_257 : vector<256x1xf32>
    %broadcast_in_dim3A_274 = vector.shape_cast %lt3A_273 : vector<256x1xi1> to vector<256x1xi1>
    %broadcast_in_dim3A_275 = vector.broadcast %broadcast_in_dim3A_274 : vector<256x1xi1> to vector<256x512xi1>
    %select_n3A_276 = arith.select %broadcast_in_dim3A_275, %sub3A_269, %select_n3A_253 : vector<256x512xi1>, vector<256x512xf32>
    %jit3A_277 = arith.constant 5.632000e+03 : f32
    %broadcast_in_dim3A_278 = vector.broadcast %jit3A_277 : f32 to vector<256x1xf32>
    %select_n3A_279 = arith.select %lt3A_273, %broadcast_in_dim3A_278, %select_n3A_256 : vector<256x1xi1>, vector<256x1xf32>
    %select_n3A_280 = arith.select %lt3A_273, %broadcast_in_dim3A_272, %select_n3A_257 : vector<256x1xi1>, vector<256x1xf32>
    %get3A_281 = arith.constant 6144 : index
    %get3A_282 = arith.constant 0 : index
    %get3A_283 = vector.load %arg2[%get3A_281, %get3A_282] : memref<8192x256xf32, #tpu.memory_space<vmem>>, vector<512x256xf32>
    %dot_general3A_284 = arith.constant dense<0.000000e+00> : vector<256x512xf32>
    %dot_general3A_285 = tpu.matmul %add3A, %get3A_283, %dot_general3A_284 {dimension_numbers = #tpu.dot_dimension_numbers<[1], [1], [0], [0], [0, 0, 1, 0], [], []>, transpose_lhs_hint = false} : vector<256x256xf32>, vector<512x256xf32>, vector<256x512xf32> -> vector<256x512xf32>
    %get3A_286 = arith.constant 0 : index
    %get3A_287 = arith.constant 6144 : index
    %get3A_288 = vector.load %arg3[%get3A_286, %get3A_287] : memref<1x8192xf32, #tpu.memory_space<vmem>>, vector<1x512xf32>
    %add3A_289 = vector.broadcast %broadcast_in_dim3A : vector<256x1xf32> to vector<256x512xf32>
    %add3A_290 = vector.broadcast %get3A_288 : vector<1x512xf32> to vector<256x512xf32>
    %add3A_291 = arith.addf %add3A_289, %add3A_290 : vector<256x512xf32>
    %sub3A_292 = arith.subf %add3A_291, %dot_general3A_285 : vector<256x512xf32>
    %reduce_min3A_293 = arith.constant dense<0x7F800000> : vector<256xf32>
    %reduce_min3A_294 = vector.multi_reduction <minimumf>, %sub3A_292, %reduce_min3A_293 [1] : vector<256x512xf32> to vector<256xf32>
    %broadcast_in_dim3A_295 = vector.shape_cast %reduce_min3A_294 : vector<256xf32> to vector<256x1xf32>
    %lt3A_296 = arith.cmpf olt, %broadcast_in_dim3A_295, %select_n3A_280 : vector<256x1xf32>
    %broadcast_in_dim3A_297 = vector.shape_cast %lt3A_296 : vector<256x1xi1> to vector<256x1xi1>
    %broadcast_in_dim3A_298 = vector.broadcast %broadcast_in_dim3A_297 : vector<256x1xi1> to vector<256x512xi1>
    %select_n3A_299 = arith.select %broadcast_in_dim3A_298, %sub3A_292, %select_n3A_276 : vector<256x512xi1>, vector<256x512xf32>
    %jit3A_300 = arith.constant 6.144000e+03 : f32
    %broadcast_in_dim3A_301 = vector.broadcast %jit3A_300 : f32 to vector<256x1xf32>
    %select_n3A_302 = arith.select %lt3A_296, %broadcast_in_dim3A_301, %select_n3A_279 : vector<256x1xi1>, vector<256x1xf32>
    %select_n3A_303 = arith.select %lt3A_296, %broadcast_in_dim3A_295, %select_n3A_280 : vector<256x1xi1>, vector<256x1xf32>
    %get3A_304 = arith.constant 6656 : index
    %get3A_305 = arith.constant 0 : index
    %get3A_306 = vector.load %arg2[%get3A_304, %get3A_305] : memref<8192x256xf32, #tpu.memory_space<vmem>>, vector<512x256xf32>
    %dot_general3A_307 = arith.constant dense<0.000000e+00> : vector<256x512xf32>
    %dot_general3A_308 = tpu.matmul %add3A, %get3A_306, %dot_general3A_307 {dimension_numbers = #tpu.dot_dimension_numbers<[1], [1], [0], [0], [0, 0, 1, 0], [], []>, transpose_lhs_hint = false} : vector<256x256xf32>, vector<512x256xf32>, vector<256x512xf32> -> vector<256x512xf32>
    %get3A_309 = arith.constant 0 : index
    %get3A_310 = arith.constant 6656 : index
    %get3A_311 = vector.load %arg3[%get3A_309, %get3A_310] : memref<1x8192xf32, #tpu.memory_space<vmem>>, vector<1x512xf32>
    %add3A_312 = vector.broadcast %broadcast_in_dim3A : vector<256x1xf32> to vector<256x512xf32>
    %add3A_313 = vector.broadcast %get3A_311 : vector<1x512xf32> to vector<256x512xf32>
    %add3A_314 = arith.addf %add3A_312, %add3A_313 : vector<256x512xf32>
    %sub3A_315 = arith.subf %add3A_314, %dot_general3A_308 : vector<256x512xf32>
    %reduce_min3A_316 = arith.constant dense<0x7F800000> : vector<256xf32>
    %reduce_min3A_317 = vector.multi_reduction <minimumf>, %sub3A_315, %reduce_min3A_316 [1] : vector<256x512xf32> to vector<256xf32>
    %broadcast_in_dim3A_318 = vector.shape_cast %reduce_min3A_317 : vector<256xf32> to vector<256x1xf32>
    %lt3A_319 = arith.cmpf olt, %broadcast_in_dim3A_318, %select_n3A_303 : vector<256x1xf32>
    %broadcast_in_dim3A_320 = vector.shape_cast %lt3A_319 : vector<256x1xi1> to vector<256x1xi1>
    %broadcast_in_dim3A_321 = vector.broadcast %broadcast_in_dim3A_320 : vector<256x1xi1> to vector<256x512xi1>
    %select_n3A_322 = arith.select %broadcast_in_dim3A_321, %sub3A_315, %select_n3A_299 : vector<256x512xi1>, vector<256x512xf32>
    %jit3A_323 = arith.constant 6.656000e+03 : f32
    %broadcast_in_dim3A_324 = vector.broadcast %jit3A_323 : f32 to vector<256x1xf32>
    %select_n3A_325 = arith.select %lt3A_319, %broadcast_in_dim3A_324, %select_n3A_302 : vector<256x1xi1>, vector<256x1xf32>
    %select_n3A_326 = arith.select %lt3A_319, %broadcast_in_dim3A_318, %select_n3A_303 : vector<256x1xi1>, vector<256x1xf32>
    %get3A_327 = arith.constant 7168 : index
    %get3A_328 = arith.constant 0 : index
    %get3A_329 = vector.load %arg2[%get3A_327, %get3A_328] : memref<8192x256xf32, #tpu.memory_space<vmem>>, vector<512x256xf32>
    %dot_general3A_330 = arith.constant dense<0.000000e+00> : vector<256x512xf32>
    %dot_general3A_331 = tpu.matmul %add3A, %get3A_329, %dot_general3A_330 {dimension_numbers = #tpu.dot_dimension_numbers<[1], [1], [0], [0], [0, 0, 1, 0], [], []>, transpose_lhs_hint = false} : vector<256x256xf32>, vector<512x256xf32>, vector<256x512xf32> -> vector<256x512xf32>
    %get3A_332 = arith.constant 0 : index
    %get3A_333 = arith.constant 7168 : index
    %get3A_334 = vector.load %arg3[%get3A_332, %get3A_333] : memref<1x8192xf32, #tpu.memory_space<vmem>>, vector<1x512xf32>
    %add3A_335 = vector.broadcast %broadcast_in_dim3A : vector<256x1xf32> to vector<256x512xf32>
    %add3A_336 = vector.broadcast %get3A_334 : vector<1x512xf32> to vector<256x512xf32>
    %add3A_337 = arith.addf %add3A_335, %add3A_336 : vector<256x512xf32>
    %sub3A_338 = arith.subf %add3A_337, %dot_general3A_331 : vector<256x512xf32>
    %reduce_min3A_339 = arith.constant dense<0x7F800000> : vector<256xf32>
    %reduce_min3A_340 = vector.multi_reduction <minimumf>, %sub3A_338, %reduce_min3A_339 [1] : vector<256x512xf32> to vector<256xf32>
    %broadcast_in_dim3A_341 = vector.shape_cast %reduce_min3A_340 : vector<256xf32> to vector<256x1xf32>
    %lt3A_342 = arith.cmpf olt, %broadcast_in_dim3A_341, %select_n3A_326 : vector<256x1xf32>
    %broadcast_in_dim3A_343 = vector.shape_cast %lt3A_342 : vector<256x1xi1> to vector<256x1xi1>
    %broadcast_in_dim3A_344 = vector.broadcast %broadcast_in_dim3A_343 : vector<256x1xi1> to vector<256x512xi1>
    %select_n3A_345 = arith.select %broadcast_in_dim3A_344, %sub3A_338, %select_n3A_322 : vector<256x512xi1>, vector<256x512xf32>
    %jit3A_346 = arith.constant 7.168000e+03 : f32
    %broadcast_in_dim3A_347 = vector.broadcast %jit3A_346 : f32 to vector<256x1xf32>
    %select_n3A_348 = arith.select %lt3A_342, %broadcast_in_dim3A_347, %select_n3A_325 : vector<256x1xi1>, vector<256x1xf32>
    %select_n3A_349 = arith.select %lt3A_342, %broadcast_in_dim3A_341, %select_n3A_326 : vector<256x1xi1>, vector<256x1xf32>
    %get3A_350 = arith.constant 7680 : index
    %get3A_351 = arith.constant 0 : index
    %get3A_352 = vector.load %arg2[%get3A_350, %get3A_351] : memref<8192x256xf32, #tpu.memory_space<vmem>>, vector<512x256xf32>
    %dot_general3A_353 = arith.constant dense<0.000000e+00> : vector<256x512xf32>
    %dot_general3A_354 = tpu.matmul %add3A, %get3A_352, %dot_general3A_353 {dimension_numbers = #tpu.dot_dimension_numbers<[1], [1], [0], [0], [0, 0, 1, 0], [], []>, transpose_lhs_hint = false} : vector<256x256xf32>, vector<512x256xf32>, vector<256x512xf32> -> vector<256x512xf32>
    %get3A_355 = arith.constant 0 : index
    %get3A_356 = arith.constant 7680 : index
    %get3A_357 = vector.load %arg3[%get3A_355, %get3A_356] : memref<1x8192xf32, #tpu.memory_space<vmem>>, vector<1x512xf32>
    %add3A_358 = vector.broadcast %broadcast_in_dim3A : vector<256x1xf32> to vector<256x512xf32>
    %add3A_359 = vector.broadcast %get3A_357 : vector<1x512xf32> to vector<256x512xf32>
    %add3A_360 = arith.addf %add3A_358, %add3A_359 : vector<256x512xf32>
    %sub3A_361 = arith.subf %add3A_360, %dot_general3A_354 : vector<256x512xf32>
    %reduce_min3A_362 = arith.constant dense<0x7F800000> : vector<256xf32>
    %reduce_min3A_363 = vector.multi_reduction <minimumf>, %sub3A_361, %reduce_min3A_362 [1] : vector<256x512xf32> to vector<256xf32>
    %broadcast_in_dim3A_364 = vector.shape_cast %reduce_min3A_363 : vector<256xf32> to vector<256x1xf32>
    %lt3A_365 = arith.cmpf olt, %broadcast_in_dim3A_364, %select_n3A_349 : vector<256x1xf32>
    %broadcast_in_dim3A_366 = vector.shape_cast %lt3A_365 : vector<256x1xi1> to vector<256x1xi1>
    %broadcast_in_dim3A_367 = vector.broadcast %broadcast_in_dim3A_366 : vector<256x1xi1> to vector<256x512xi1>
    %select_n3A_368 = arith.select %broadcast_in_dim3A_367, %sub3A_361, %select_n3A_345 : vector<256x512xi1>, vector<256x512xf32>
    %jit3A_369 = arith.constant 7.680000e+03 : f32
    %broadcast_in_dim3A_370 = vector.broadcast %jit3A_369 : f32 to vector<256x1xf32>
    %select_n3A_371 = arith.select %lt3A_365, %broadcast_in_dim3A_370, %select_n3A_348 : vector<256x1xi1>, vector<256x1xf32>
    %select_n3A_372 = arith.select %lt3A_365, %broadcast_in_dim3A_364, %select_n3A_349 : vector<256x1xi1>, vector<256x1xf32>
    %iota3A = tpu.iota {dimensions = array<i32: 1>} : vector<256x512xi32>
    %convert_element_type3A = arith.sitofp %iota3A : vector<256x512xi32> to vector<256x512xf32>
    %eq3A = vector.broadcast %select_n3A_372 : vector<256x1xf32> to vector<256x512xf32>
    %eq3A_373 = arith.cmpf oeq, %select_n3A_368, %eq3A : vector<256x512xf32>
    %jit3A_374 = arith.constant 3.000000e+07 : f32
    %broadcast_in_dim3A_375 = vector.broadcast %jit3A_374 : f32 to vector<256x512xf32>
    %select_n3A_376 = arith.select %eq3A_373, %convert_element_type3A, %broadcast_in_dim3A_375 : vector<256x512xi1>, vector<256x512xf32>
    %reduce_min3A_377 = arith.constant dense<0x7F800000> : vector<256xf32>
    %reduce_min3A_378 = vector.multi_reduction <minimumf>, %select_n3A_376, %reduce_min3A_377 [1] : vector<256x512xf32> to vector<256xf32>
    %broadcast_in_dim3A_379 = vector.shape_cast %reduce_min3A_378 : vector<256xf32> to vector<256x1xf32>
    %add3A_380 = arith.addf %broadcast_in_dim3A_379, %select_n3A_371 : vector<256x1xf32>
    %convert_element_type3A_381 = arith.fptosi %add3A_380 : vector<256x1xf32> to vector<256x1xi32>
    %swap3A = arith.constant 0 : index
    %swap3A_382 = arith.constant 0 : index
    %swap3A_383 = vector.load %arg4[%swap3A, %swap3A_382] : memref<256x1xi32, #tpu.memory_space<vmem>>, vector<256x1xi32>
    tpu.vector_store %arg4[%swap3A, %swap3A_382], %convert_element_type3A_381 {strides = array<i32>} : memref<256x1xi32, #tpu.memory_space<vmem>>, vector<256x1xi32>,
    %broadcast_in_dim3A_384 = arith.constant 1.000000e+00 : f32
    %broadcast_in_dim3A_385 = vector.broadcast %broadcast_in_dim3A_384 : f32 to vector<8x256xf32>
    %iota3A_386 = tpu.iota {dimensions = array<i32: 1>} : vector<256x1024xi32>
    %add3A_387 = arith.constant 0 : i32
    %add3A_388 = vector.broadcast %add3A_387 : i32 to vector<256x1024xi32>
    %add3A_389 = arith.addi %iota3A_386, %add3A_388 : vector<256x1024xi32>
    %eq3A_390 = vector.broadcast %convert_element_type3A_381 : vector<256x1xi32> to vector<256x1024xi32>
    %eq3A_391 = arith.cmpi eq, %add3A_389, %eq3A_390 : vector<256x1024xi32>
    %convert_element_type3A_392 = arith.extui %eq3A_391 : vector<256x1024xi1> to vector<256x1024xi32>
    %convert_element_type3A_393 = arith.sitofp %convert_element_type3A_392 : vector<256x1024xi32> to vector<256x1024xf32>
    %swap3A_394 = arith.constant 0 : index
    %swap3A_395 = arith.constant 0 : index
    %swap3A_396 = vector.load %arg5[%swap3A_394, %swap3A_395] : memref<256x8192xf32, #tpu.memory_space<vmem>>, vector<256x1024xf32>
    tpu.vector_store %arg5[%swap3A_394, %swap3A_395], %convert_element_type3A_393 {strides = array<i32>} : memref<256x8192xf32, #tpu.memory_space<vmem>>, vector<256x1024xf32>,
    %dot_general3A_397 = arith.constant dense<0.000000e+00> : vector<8x1024xf32>
    %dot_general3A_398 = tpu.matmul %broadcast_in_dim3A_385, %convert_element_type3A_393, %dot_general3A_397 {dimension_numbers = #tpu.dot_dimension_numbers<[1], [0], [0], [1], [0, 0, 1, 1], [], []>, transpose_lhs_hint = false} : vector<8x256xf32>, vector<256x1024xf32>, vector<8x1024xf32> -> vector<8x1024xf32>
    %slice3A = vector.extract_strided_slice %dot_general3A_398 {offsets = [0, 0], sizes = [1, 1024], strides = [1, 1]} : vector<8x1024xf32> to vector<1x1024xf32>
    %squeeze3A = vector.shape_cast %slice3A : vector<1x1024xf32> to vector<1024xf32>
    %swap3A_399 = arith.constant 0 : index
    %swap3A_400 = arith.constant 0 : index
    %swap3A_401 = arith.constant 0 : index
    %swap3A_402 = vector.load %arg6[%swap3A_399, %swap3A_400, %swap3A_401] : memref<1x1x8192xf32, #tpu.memory_space<vmem>>, vector<1x1x1024xf32>
    %swap3A_403 = vector.shape_cast %swap3A_402 : vector<1x1x1024xf32> to vector<1024xf32>
    %swap3A_404 = vector.shape_cast %squeeze3A : vector<1024xf32> to vector<1x1x1024xf32>
    tpu.vector_store %arg6[%swap3A_399, %swap3A_400, %swap3A_401], %swap3A_404 {strides = array<i32>} : memref<1x1x8192xf32, #tpu.memory_space<vmem>>, vector<1x1x1024xf32>,
    %iota3A_405 = tpu.iota {dimensions = array<i32: 1>} : vector<256x1024xi32>
    %add3A_406 = arith.constant 1024 : i32
    %add3A_407 = vector.broadcast %add3A_406 : i32 to vector<256x1024xi32>
    %add3A_408 = arith.addi %iota3A_405, %add3A_407 : vector<256x1024xi32>
    %eq3A_409 = vector.broadcast %convert_element_type3A_381 : vector<256x1xi32> to vector<256x1024xi32>
    %eq3A_410 = arith.cmpi eq, %add3A_408, %eq3A_409 : vector<256x1024xi32>
    %convert_element_type3A_411 = arith.extui %eq3A_410 : vector<256x1024xi1> to vector<256x1024xi32>
    %convert_element_type3A_412 = arith.sitofp %convert_element_type3A_411 : vector<256x1024xi32> to vector<256x1024xf32>
    %swap3A_413 = arith.constant 0 : index
    %swap3A_414 = arith.constant 1024 : index
    %swap3A_415 = vector.load %arg5[%swap3A_413, %swap3A_414] : memref<256x8192xf32, #tpu.memory_space<vmem>>, vector<256x1024xf32>
    tpu.vector_store %arg5[%swap3A_413, %swap3A_414], %convert_element_type3A_412 {strides = array<i32>} : memref<256x8192xf32, #tpu.memory_space<vmem>>, vector<256x1024xf32>,
    %dot_general3A_416 = arith.constant dense<0.000000e+00> : vector<8x1024xf32>
    %dot_general3A_417 = tpu.matmul %broadcast_in_dim3A_385, %convert_element_type3A_412, %dot_general3A_416 {dimension_numbers = #tpu.dot_dimension_numbers<[1], [0], [0], [1], [0, 0, 1, 1], [], []>, transpose_lhs_hint = false} : vector<8x256xf32>, vector<256x1024xf32>, vector<8x1024xf32> -> vector<8x1024xf32>
    %slice3A_418 = vector.extract_strided_slice %dot_general3A_417 {offsets = [0, 0], sizes = [1, 1024], strides = [1, 1]} : vector<8x1024xf32> to vector<1x1024xf32>
    %squeeze3A_419 = vector.shape_cast %slice3A_418 : vector<1x1024xf32> to vector<1024xf32>
    %swap3A_420 = arith.constant 0 : index
    %swap3A_421 = arith.constant 0 : index
    %swap3A_422 = arith.constant 1024 : index
    %swap3A_423 = vector.load %arg6[%swap3A_420, %swap3A_421, %swap3A_422] : memref<1x1x8192xf32, #tpu.memory_space<vmem>>, vector<1x1x1024xf32>
    %swap3A_424 = vector.shape_cast %swap3A_423 : vector<1x1x1024xf32> to vector<1024xf32>
    %swap3A_425 = vector.shape_cast %squeeze3A_419 : vector<1024xf32> to vector<1x1x1024xf32>
    tpu.vector_store %arg6[%swap3A_420, %swap3A_421, %swap3A_422], %swap3A_425 {strides = array<i32>} : memref<1x1x8192xf32, #tpu.memory_space<vmem>>, vector<1x1x1024xf32>,
    %iota3A_426 = tpu.iota {dimensions = array<i32: 1>} : vector<256x1024xi32>
    %add3A_427 = arith.constant 2048 : i32
    %add3A_428 = vector.broadcast %add3A_427 : i32 to vector<256x1024xi32>
    %add3A_429 = arith.addi %iota3A_426, %add3A_428 : vector<256x1024xi32>
    %eq3A_430 = vector.broadcast %convert_element_type3A_381 : vector<256x1xi32> to vector<256x1024xi32>
    %eq3A_431 = arith.cmpi eq, %add3A_429, %eq3A_430 : vector<256x1024xi32>
    %convert_element_type3A_432 = arith.extui %eq3A_431 : vector<256x1024xi1> to vector<256x1024xi32>
    %convert_element_type3A_433 = arith.sitofp %convert_element_type3A_432 : vector<256x1024xi32> to vector<256x1024xf32>
    %swap3A_434 = arith.constant 0 : index
    %swap3A_435 = arith.constant 2048 : index
    %swap3A_436 = vector.load %arg5[%swap3A_434, %swap3A_435] : memref<256x8192xf32, #tpu.memory_space<vmem>>, vector<256x1024xf32>
    tpu.vector_store %arg5[%swap3A_434, %swap3A_435], %convert_element_type3A_433 {strides = array<i32>} : memref<256x8192xf32, #tpu.memory_space<vmem>>, vector<256x1024xf32>,
    %dot_general3A_437 = arith.constant dense<0.000000e+00> : vector<8x1024xf32>
    %dot_general3A_438 = tpu.matmul %broadcast_in_dim3A_385, %convert_element_type3A_433, %dot_general3A_437 {dimension_numbers = #tpu.dot_dimension_numbers<[1], [0], [0], [1], [0, 0, 1, 1], [], []>, transpose_lhs_hint = false} : vector<8x256xf32>, vector<256x1024xf32>, vector<8x1024xf32> -> vector<8x1024xf32>
    %slice3A_439 = vector.extract_strided_slice %dot_general3A_438 {offsets = [0, 0], sizes = [1, 1024], strides = [1, 1]} : vector<8x1024xf32> to vector<1x1024xf32>
    %squeeze3A_440 = vector.shape_cast %slice3A_439 : vector<1x1024xf32> to vector<1024xf32>
    %swap3A_441 = arith.constant 0 : index
    %swap3A_442 = arith.constant 0 : index
    %swap3A_443 = arith.constant 2048 : index
    %swap3A_444 = vector.load %arg6[%swap3A_441, %swap3A_442, %swap3A_443] : memref<1x1x8192xf32, #tpu.memory_space<vmem>>, vector<1x1x1024xf32>
    %swap3A_445 = vector.shape_cast %swap3A_444 : vector<1x1x1024xf32> to vector<1024xf32>
    %swap3A_446 = vector.shape_cast %squeeze3A_440 : vector<1024xf32> to vector<1x1x1024xf32>
    tpu.vector_store %arg6[%swap3A_441, %swap3A_442, %swap3A_443], %swap3A_446 {strides = array<i32>} : memref<1x1x8192xf32, #tpu.memory_space<vmem>>, vector<1x1x1024xf32>,
    %iota3A_447 = tpu.iota {dimensions = array<i32: 1>} : vector<256x1024xi32>
    %add3A_448 = arith.constant 3072 : i32
    %add3A_449 = vector.broadcast %add3A_448 : i32 to vector<256x1024xi32>
    %add3A_450 = arith.addi %iota3A_447, %add3A_449 : vector<256x1024xi32>
    %eq3A_451 = vector.broadcast %convert_element_type3A_381 : vector<256x1xi32> to vector<256x1024xi32>
    %eq3A_452 = arith.cmpi eq, %add3A_450, %eq3A_451 : vector<256x1024xi32>
    %convert_element_type3A_453 = arith.extui %eq3A_452 : vector<256x1024xi1> to vector<256x1024xi32>
    %convert_element_type3A_454 = arith.sitofp %convert_element_type3A_453 : vector<256x1024xi32> to vector<256x1024xf32>
    %swap3A_455 = arith.constant 0 : index
    %swap3A_456 = arith.constant 3072 : index
    %swap3A_457 = vector.load %arg5[%swap3A_455, %swap3A_456] : memref<256x8192xf32, #tpu.memory_space<vmem>>, vector<256x1024xf32>
    tpu.vector_store %arg5[%swap3A_455, %swap3A_456], %convert_element_type3A_454 {strides = array<i32>} : memref<256x8192xf32, #tpu.memory_space<vmem>>, vector<256x1024xf32>,
    %dot_general3A_458 = arith.constant dense<0.000000e+00> : vector<8x1024xf32>
    %dot_general3A_459 = tpu.matmul %broadcast_in_dim3A_385, %convert_element_type3A_454, %dot_general3A_458 {dimension_numbers = #tpu.dot_dimension_numbers<[1], [0], [0], [1], [0, 0, 1, 1], [], []>, transpose_lhs_hint = false} : vector<8x256xf32>, vector<256x1024xf32>, vector<8x1024xf32> -> vector<8x1024xf32>
    %slice3A_460 = vector.extract_strided_slice %dot_general3A_459 {offsets = [0, 0], sizes = [1, 1024], strides = [1, 1]} : vector<8x1024xf32> to vector<1x1024xf32>
    %squeeze3A_461 = vector.shape_cast %slice3A_460 : vector<1x1024xf32> to vector<1024xf32>
    %swap3A_462 = arith.constant 0 : index
    %swap3A_463 = arith.constant 0 : index
    %swap3A_464 = arith.constant 3072 : index
    %swap3A_465 = vector.load %arg6[%swap3A_462, %swap3A_463, %swap3A_464] : memref<1x1x8192xf32, #tpu.memory_space<vmem>>, vector<1x1x1024xf32>
    %swap3A_466 = vector.shape_cast %swap3A_465 : vector<1x1x1024xf32> to vector<1024xf32>
    %swap3A_467 = vector.shape_cast %squeeze3A_461 : vector<1024xf32> to vector<1x1x1024xf32>
    tpu.vector_store %arg6[%swap3A_462, %swap3A_463, %swap3A_464], %swap3A_467 {strides = array<i32>} : memref<1x1x8192xf32, #tpu.memory_space<vmem>>, vector<1x1x1024xf32>,
    %iota3A_468 = tpu.iota {dimensions = array<i32: 1>} : vector<256x1024xi32>
    %add3A_469 = arith.constant 4096 : i32
    %add3A_470 = vector.broadcast %add3A_469 : i32 to vector<256x1024xi32>
    %add3A_471 = arith.addi %iota3A_468, %add3A_470 : vector<256x1024xi32>
    %eq3A_472 = vector.broadcast %convert_element_type3A_381 : vector<256x1xi32> to vector<256x1024xi32>
    %eq3A_473 = arith.cmpi eq, %add3A_471, %eq3A_472 : vector<256x1024xi32>
    %convert_element_type3A_474 = arith.extui %eq3A_473 : vector<256x1024xi1> to vector<256x1024xi32>
    %convert_element_type3A_475 = arith.sitofp %convert_element_type3A_474 : vector<256x1024xi32> to vector<256x1024xf32>
    %swap3A_476 = arith.constant 0 : index
    %swap3A_477 = arith.constant 4096 : index
    %swap3A_478 = vector.load %arg5[%swap3A_476, %swap3A_477] : memref<256x8192xf32, #tpu.memory_space<vmem>>, vector<256x1024xf32>
    tpu.vector_store %arg5[%swap3A_476, %swap3A_477], %convert_element_type3A_475 {strides = array<i32>} : memref<256x8192xf32, #tpu.memory_space<vmem>>, vector<256x1024xf32>,
    %dot_general3A_479 = arith.constant dense<0.000000e+00> : vector<8x1024xf32>
    %dot_general3A_480 = tpu.matmul %broadcast_in_dim3A_385, %convert_element_type3A_475, %dot_general3A_479 {dimension_numbers = #tpu.dot_dimension_numbers<[1], [0], [0], [1], [0, 0, 1, 1], [], []>, transpose_lhs_hint = false} : vector<8x256xf32>, vector<256x1024xf32>, vector<8x1024xf32> -> vector<8x1024xf32>
    %slice3A_481 = vector.extract_strided_slice %dot_general3A_480 {offsets = [0, 0], sizes = [1, 1024], strides = [1, 1]} : vector<8x1024xf32> to vector<1x1024xf32>
    %squeeze3A_482 = vector.shape_cast %slice3A_481 : vector<1x1024xf32> to vector<1024xf32>
    %swap3A_483 = arith.constant 0 : index
    %swap3A_484 = arith.constant 0 : index
    %swap3A_485 = arith.constant 4096 : index
    %swap3A_486 = vector.load %arg6[%swap3A_483, %swap3A_484, %swap3A_485] : memref<1x1x8192xf32, #tpu.memory_space<vmem>>, vector<1x1x1024xf32>
    %swap3A_487 = vector.shape_cast %swap3A_486 : vector<1x1x1024xf32> to vector<1024xf32>
    %swap3A_488 = vector.shape_cast %squeeze3A_482 : vector<1024xf32> to vector<1x1x1024xf32>
    tpu.vector_store %arg6[%swap3A_483, %swap3A_484, %swap3A_485], %swap3A_488 {strides = array<i32>} : memref<1x1x8192xf32, #tpu.memory_space<vmem>>, vector<1x1x1024xf32>,
    %iota3A_489 = tpu.iota {dimensions = array<i32: 1>} : vector<256x1024xi32>
    %add3A_490 = arith.constant 5120 : i32
    %add3A_491 = vector.broadcast %add3A_490 : i32 to vector<256x1024xi32>
    %add3A_492 = arith.addi %iota3A_489, %add3A_491 : vector<256x1024xi32>
    %eq3A_493 = vector.broadcast %convert_element_type3A_381 : vector<256x1xi32> to vector<256x1024xi32>
    %eq3A_494 = arith.cmpi eq, %add3A_492, %eq3A_493 : vector<256x1024xi32>
    %convert_element_type3A_495 = arith.extui %eq3A_494 : vector<256x1024xi1> to vector<256x1024xi32>
    %convert_element_type3A_496 = arith.sitofp %convert_element_type3A_495 : vector<256x1024xi32> to vector<256x1024xf32>
    %swap3A_497 = arith.constant 0 : index
    %swap3A_498 = arith.constant 5120 : index
    %swap3A_499 = vector.load %arg5[%swap3A_497, %swap3A_498] : memref<256x8192xf32, #tpu.memory_space<vmem>>, vector<256x1024xf32>
    tpu.vector_store %arg5[%swap3A_497, %swap3A_498], %convert_element_type3A_496 {strides = array<i32>} : memref<256x8192xf32, #tpu.memory_space<vmem>>, vector<256x1024xf32>,
    %dot_general3A_500 = arith.constant dense<0.000000e+00> : vector<8x1024xf32>
    %dot_general3A_501 = tpu.matmul %broadcast_in_dim3A_385, %convert_element_type3A_496, %dot_general3A_500 {dimension_numbers = #tpu.dot_dimension_numbers<[1], [0], [0], [1], [0, 0, 1, 1], [], []>, transpose_lhs_hint = false} : vector<8x256xf32>, vector<256x1024xf32>, vector<8x1024xf32> -> vector<8x1024xf32>
    %slice3A_502 = vector.extract_strided_slice %dot_general3A_501 {offsets = [0, 0], sizes = [1, 1024], strides = [1, 1]} : vector<8x1024xf32> to vector<1x1024xf32>
    %squeeze3A_503 = vector.shape_cast %slice3A_502 : vector<1x1024xf32> to vector<1024xf32>
    %swap3A_504 = arith.constant 0 : index
    %swap3A_505 = arith.constant 0 : index
    %swap3A_506 = arith.constant 5120 : index
    %swap3A_507 = vector.load %arg6[%swap3A_504, %swap3A_505, %swap3A_506] : memref<1x1x8192xf32, #tpu.memory_space<vmem>>, vector<1x1x1024xf32>
    %swap3A_508 = vector.shape_cast %swap3A_507 : vector<1x1x1024xf32> to vector<1024xf32>
    %swap3A_509 = vector.shape_cast %squeeze3A_503 : vector<1024xf32> to vector<1x1x1024xf32>
    tpu.vector_store %arg6[%swap3A_504, %swap3A_505, %swap3A_506], %swap3A_509 {strides = array<i32>} : memref<1x1x8192xf32, #tpu.memory_space<vmem>>, vector<1x1x1024xf32>,
    %iota3A_510 = tpu.iota {dimensions = array<i32: 1>} : vector<256x1024xi32>
    %add3A_511 = arith.constant 6144 : i32
    %add3A_512 = vector.broadcast %add3A_511 : i32 to vector<256x1024xi32>
    %add3A_513 = arith.addi %iota3A_510, %add3A_512 : vector<256x1024xi32>
    %eq3A_514 = vector.broadcast %convert_element_type3A_381 : vector<256x1xi32> to vector<256x1024xi32>
    %eq3A_515 = arith.cmpi eq, %add3A_513, %eq3A_514 : vector<256x1024xi32>
    %convert_element_type3A_516 = arith.extui %eq3A_515 : vector<256x1024xi1> to vector<256x1024xi32>
    %convert_element_type3A_517 = arith.sitofp %convert_element_type3A_516 : vector<256x1024xi32> to vector<256x1024xf32>
    %swap3A_518 = arith.constant 0 : index
    %swap3A_519 = arith.constant 6144 : index
    %swap3A_520 = vector.load %arg5[%swap3A_518, %swap3A_519] : memref<256x8192xf32, #tpu.memory_space<vmem>>, vector<256x1024xf32>
    tpu.vector_store %arg5[%swap3A_518, %swap3A_519], %convert_element_type3A_517 {strides = array<i32>} : memref<256x8192xf32, #tpu.memory_space<vmem>>, vector<256x1024xf32>,
    %dot_general3A_521 = arith.constant dense<0.000000e+00> : vector<8x1024xf32>
    %dot_general3A_522 = tpu.matmul %broadcast_in_dim3A_385, %convert_element_type3A_517, %dot_general3A_521 {dimension_numbers = #tpu.dot_dimension_numbers<[1], [0], [0], [1], [0, 0, 1, 1], [], []>, transpose_lhs_hint = false} : vector<8x256xf32>, vector<256x1024xf32>, vector<8x1024xf32> -> vector<8x1024xf32>
    %slice3A_523 = vector.extract_strided_slice %dot_general3A_522 {offsets = [0, 0], sizes = [1, 1024], strides = [1, 1]} : vector<8x1024xf32> to vector<1x1024xf32>
    %squeeze3A_524 = vector.shape_cast %slice3A_523 : vector<1x1024xf32> to vector<1024xf32>
    %swap3A_525 = arith.constant 0 : index
    %swap3A_526 = arith.constant 0 : index
    %swap3A_527 = arith.constant 6144 : index
    %swap3A_528 = vector.load %arg6[%swap3A_525, %swap3A_526, %swap3A_527] : memref<1x1x8192xf32, #tpu.memory_space<vmem>>, vector<1x1x1024xf32>
    %swap3A_529 = vector.shape_cast %swap3A_528 : vector<1x1x1024xf32> to vector<1024xf32>
    %swap3A_530 = vector.shape_cast %squeeze3A_524 : vector<1024xf32> to vector<1x1x1024xf32>
    tpu.vector_store %arg6[%swap3A_525, %swap3A_526, %swap3A_527], %swap3A_530 {strides = array<i32>} : memref<1x1x8192xf32, #tpu.memory_space<vmem>>, vector<1x1x1024xf32>,
    %iota3A_531 = tpu.iota {dimensions = array<i32: 1>} : vector<256x1024xi32>
    %add3A_532 = arith.constant 7168 : i32
    %add3A_533 = vector.broadcast %add3A_532 : i32 to vector<256x1024xi32>
    %add3A_534 = arith.addi %iota3A_531, %add3A_533 : vector<256x1024xi32>
    %eq3A_535 = vector.broadcast %convert_element_type3A_381 : vector<256x1xi32> to vector<256x1024xi32>
    %eq3A_536 = arith.cmpi eq, %add3A_534, %eq3A_535 : vector<256x1024xi32>
    %convert_element_type3A_537 = arith.extui %eq3A_536 : vector<256x1024xi1> to vector<256x1024xi32>
    %convert_element_type3A_538 = arith.sitofp %convert_element_type3A_537 : vector<256x1024xi32> to vector<256x1024xf32>
    %swap3A_539 = arith.constant 0 : index
    %swap3A_540 = arith.constant 7168 : index
    %swap3A_541 = vector.load %arg5[%swap3A_539, %swap3A_540] : memref<256x8192xf32, #tpu.memory_space<vmem>>, vector<256x1024xf32>
    tpu.vector_store %arg5[%swap3A_539, %swap3A_540], %convert_element_type3A_538 {strides = array<i32>} : memref<256x8192xf32, #tpu.memory_space<vmem>>, vector<256x1024xf32>,
    %dot_general3A_542 = arith.constant dense<0.000000e+00> : vector<8x1024xf32>
    %dot_general3A_543 = tpu.matmul %broadcast_in_dim3A_385, %convert_element_type3A_538, %dot_general3A_542 {dimension_numbers = #tpu.dot_dimension_numbers<[1], [0], [0], [1], [0, 0, 1, 1], [], []>, transpose_lhs_hint = false} : vector<8x256xf32>, vector<256x1024xf32>, vector<8x1024xf32> -> vector<8x1024xf32>
    %slice3A_544 = vector.extract_strided_slice %dot_general3A_543 {offsets = [0, 0], sizes = [1, 1024], strides = [1, 1]} : vector<8x1024xf32> to vector<1x1024xf32>
    %squeeze3A_545 = vector.shape_cast %slice3A_544 : vector<1x1024xf32> to vector<1024xf32>
    %swap3A_546 = arith.constant 0 : index
    %swap3A_547 = arith.constant 0 : index
    %swap3A_548 = arith.constant 7168 : index
    %swap3A_549 = vector.load %arg6[%swap3A_546, %swap3A_547, %swap3A_548] : memref<1x1x8192xf32, #tpu.memory_space<vmem>>, vector<1x1x1024xf32>
    %swap3A_550 = vector.shape_cast %swap3A_549 : vector<1x1x1024xf32> to vector<1024xf32>
    %swap3A_551 = vector.shape_cast %squeeze3A_545 : vector<1024xf32> to vector<1x1x1024xf32>
    tpu.vector_store %arg6[%swap3A_546, %swap3A_547, %swap3A_548], %swap3A_551 {strides = array<i32>} : memref<1x1x8192xf32, #tpu.memory_space<vmem>>, vector<1x1x1024xf32>,
    return
  }
  func.func @transform_0(%arg0: i32) -> (i32, i32, i32) {
    %jit3A = arith.constant 4 : i32
    %div3A = arith.divsi %arg0, %jit3A : i32
    %sign3A = arith.constant 0 : i32
    %sign3A_0 = arith.cmpi sgt, %arg0, %sign3A : i32
    %sign3A_1 = arith.extui %sign3A_0 : i1 to i32
    %sign3A_2 = arith.constant 0 : i32
    %sign3A_3 = arith.cmpi slt, %arg0, %sign3A_2 : i32
    %sign3A_4 = arith.extui %sign3A_3 : i1 to i32
    %sign3A_5 = arith.subi %sign3A_1, %sign3A_4 : i32
    %sign3A_6 = arith.constant 0 : i32
    %sign3A_7 = arith.cmpi sgt, %jit3A, %sign3A_6 : i32
    %sign3A_8 = arith.extui %sign3A_7 : i1 to i32
    %sign3A_9 = arith.constant 0 : i32
    %sign3A_10 = arith.cmpi slt, %jit3A, %sign3A_9 : i32
    %sign3A_11 = arith.extui %sign3A_10 : i1 to i32
    %sign3A_12 = arith.subi %sign3A_8, %sign3A_11 : i32
    %ne3A = arith.cmpi ne, %sign3A_5, %sign3A_12 : i32
    %rem3A = arith.remsi %arg0, %jit3A : i32
    %ne3A_13 = arith.constant 0 : i32
    %ne3A_14 = arith.cmpi ne, %rem3A, %ne3A_13 : i32
    %and3A = arith.andi %ne3A, %ne3A_14 : i1
    %sub3A = arith.constant 1 : i32
    %sub3A_15 = arith.subi %div3A, %sub3A : i32
    %select_n3A = arith.select %and3A, %sub3A_15, %div3A : i32
    %jit3A_16 = arith.constant 4 : i32
    %eq3A = arith.constant 0 : i32
    %eq3A_17 = arith.cmpi eq, %jit3A_16, %eq3A : i32
    %jit3A_18 = arith.constant 1 : i32
    %select_n3A_19 = arith.select %eq3A_17, %jit3A_18, %jit3A_16 : i32
    %rem3A_20 = arith.remsi %arg0, %select_n3A_19 : i32
    %ne3A_21 = arith.constant 0 : i32
    %ne3A_22 = arith.cmpi ne, %rem3A_20, %ne3A_21 : i32
    %lt3A = arith.constant 0 : i32
    %lt3A_23 = arith.cmpi slt, %rem3A_20, %lt3A : i32
    %lt3A_24 = arith.constant 0 : i32
    %lt3A_25 = arith.cmpi slt, %select_n3A_19, %lt3A_24 : i32
    %ne3A_26 = arith.xori %lt3A_23, %lt3A_25 : i1
    %and3A_27 = arith.andi %ne3A_26, %ne3A_22 : i1
    %add3A = arith.addi %rem3A_20, %select_n3A_19 : i32
    %select_n3A_28 = arith.select %and3A_27, %add3A, %rem3A_20 : i32
    %c0_i32 = arith.constant 0 : i32
    %c0_i32_29 = arith.constant 0 : i32
    return %select_n3A, %c0_i32, %select_n3A_28 : i32, i32, i32
  }
  func.func @transform_1(%arg0: i32) -> (i32, i32) {
    %c0_i32 = arith.constant 0 : i32
    %c0_i32_0 = arith.constant 0 : i32
    %c0_i32_1 = arith.constant 0 : i32
    return %c0_i32, %c0_i32_0 : i32, i32
  }
  func.func @transform_2(%arg0: i32) -> (i32, i32) {
    %c0_i32 = arith.constant 0 : i32
    %c0_i32_0 = arith.constant 0 : i32
    %c0_i32_1 = arith.constant 0 : i32
    return %c0_i32, %c0_i32_0 : i32, i32
  }
  func.func @transform_3(%arg0: i32) -> (i32, i32) {
    %c0_i32 = arith.constant 0 : i32
    %c0_i32_0 = arith.constant 0 : i32
    return %arg0, %c0_i32 : i32, i32
  }
  func.func @transform_4(%arg0: i32) -> (i32, i32) {
    %c0_i32 = arith.constant 0 : i32
    %c0_i32_0 = arith.constant 0 : i32
    return %arg0, %c0_i32 : i32, i32
  }
  func.func @transform_5(%arg0: i32) -> (i32, i32, i32) {
    %c0_i32 = arith.constant 0 : i32
    %c0_i32_0 = arith.constant 0 : i32
    %c0_i32_1 = arith.constant 0 : i32
    return %arg0, %c0_i32, %c0_i32_0 : i32, i32, i32
  }
}

module attributes {stable_mosaic.version = 14 : i64} {
  func.func @_final_body(%arg0: i32, %arg1: memref<1x256x1024xf32, #tpu.memory_space<vmem>>, %arg2: memref<1024x256xf32, #tpu.memory_space<vmem>>, %arg3: memref<32x1x8192xf32, #tpu.memory_space<vmem>>, %arg4: memref<1x256x1024xf32, #tpu.memory_space<vmem>>, %arg5: memref<1x1xf32, #tpu.memory_space<vmem>>, %arg6: memref<1x1xf32, #tpu.memory_space<vmem>>, %arg7: memref<1x1xf32, #tpu.memory_space<smem>>) attributes {dimension_semantics = [#tpu.dimension_semantics<arbitrary>], iteration_bounds = array<i64: 8>, scalar_prefetch = 0 : i64, scratch_operands = 1 : i64, tpu.core_type = #tpu.core_type<tc>, window_params = [{transform_indices = @transform_0, window_bounds = array<i64: 1, 256, 1024>}, {transform_indices = @transform_1, window_bounds = array<i64: 1024, 256>}, {pipeline_mode = #tpu.pipeline_mode<synchronous>, transform_indices = @transform_2, window_bounds = array<i64: 32, 1, 8192>}, {transform_indices = @transform_3, window_bounds = array<i64: 1, 256, 1024>}, {pipeline_mode = #tpu.pipeline_mode<synchronous>, transform_indices = @transform_4, window_bounds = array<i64: 1, 1>}, {pipeline_mode = #tpu.pipeline_mode<synchronous>, transform_indices = @transform_5, window_bounds = array<i64: 1, 1>}]} {
    %get3A = arith.constant 0 : index
    %get3A_0 = arith.constant 0 : index
    %get3A_1 = arith.constant 0 : index
    %get3A_2 = vector.load %arg1[%get3A, %get3A_0, %get3A_1] : memref<1x256x1024xf32, #tpu.memory_space<vmem>>, vector<1x256x1024xf32>
    %get3A_3 = vector.shape_cast %get3A_2 : vector<1x256x1024xf32> to vector<256x1024xf32>
    %get3A_4 = arith.constant 0 : index
    %get3A_5 = arith.constant 0 : index
    %get3A_6 = vector.load %arg2[%get3A_4, %get3A_5] : memref<1024x256xf32, #tpu.memory_space<vmem>>, vector<1024x256xf32>
    %transpose3A = tpu.transpose %get3A_6, [1, 0] : vector<1024x256xf32> -> vector<256x1024xf32>
    %sub3A = arith.subf %transpose3A, %get3A_3 : vector<256x1024xf32>
    %add3A = arith.addf %get3A_3, %sub3A : vector<256x1024xf32>
    %broadcast_in_dim3A = vector.shape_cast %add3A : vector<256x1024xf32> to vector<1x256x1024xf32>
    %swap3A = arith.constant 0 : index
    %swap3A_7 = arith.constant 0 : index
    %swap3A_8 = arith.constant 0 : index
    %swap3A_9 = vector.load %arg4[%swap3A, %swap3A_7, %swap3A_8] : memref<1x256x1024xf32, #tpu.memory_space<vmem>>, vector<1x256x1024xf32>
    tpu.vector_store %arg4[%swap3A, %swap3A_7, %swap3A_8], %broadcast_in_dim3A {strides = array<i32>} : memref<1x256x1024xf32, #tpu.memory_space<vmem>>, vector<1x256x1024xf32>,
    %mul3A = arith.mulf %sub3A, %sub3A : vector<256x1024xf32>
    %reduce_sum3A = vector.shape_cast %mul3A : vector<256x1024xf32> to vector<1x256x1024xf32>
    %reduce_sum3A_10 = arith.constant dense<0.000000e+00> : vector<1xf32>
    %reduce_sum3A_11 = vector.multi_reduction <add>, %reduce_sum3A, %reduce_sum3A_10 [1, 2] : vector<1x256x1024xf32> to vector<1xf32>
    %reduce_sum3A_12 = vector.shape_cast %reduce_sum3A_11 : vector<1xf32> to vector<1x1x1xf32>
    %reduce_sum3A_13 = vector.extract %reduce_sum3A_12[0, 0, 0] : f32 from vector<1x1x1xf32>
    %eq3A = arith.constant 0 : i32
    %eq3A_14 = arith.cmpi eq, %arg0, %eq3A : i32
    %get3A_15 = arith.constant 0 : index
    %get3A_16 = arith.constant 0 : index
    %get3A_17 = memref.load %arg7[%get3A_15, %get3A_16] : memref<1x1xf32, #tpu.memory_space<smem>>
    %jit3A = arith.constant 0.000000e+00 : f32
    %select_n3A = arith.select %eq3A_14, %jit3A, %get3A_17 : f32
    %add3A_18 = arith.addf %select_n3A, %reduce_sum3A_13 : f32
    %swap3A_19 = arith.constant 0 : index
    %swap3A_20 = arith.constant 0 : index
    %swap3A_21 = memref.load %arg7[%swap3A_19, %swap3A_20] : memref<1x1xf32, #tpu.memory_space<smem>>
    memref.store %add3A_18, %arg7[%swap3A_19, %swap3A_20] : memref<1x1xf32, #tpu.memory_space<smem>>
    %eq3A_22 = arith.constant 7 : i32
    %eq3A_23 = arith.cmpi eq, %arg0, %eq3A_22 : i32
    %convert_element_type3A = arith.extui %eq3A_23 : i1 to i32
    %cond3A = arith.constant 0 : i32
    %cond3A_24 = arith.cmpi ne, %convert_element_type3A, %cond3A : i32
    scf.if %cond3A_24 {
      %get3A_25 = arith.constant 0 : index
      %get3A_26 = arith.constant 0 : index
      %get3A_27 = memref.load %arg7[%get3A_25, %get3A_26] : memref<1x1xf32, #tpu.memory_space<smem>>
      %mul3A_28 = arith.constant 4.76837158E-7 : f32
      %mul3A_29 = arith.mulf %get3A_27, %mul3A_28 : f32
      %mul3A_30 = arith.constant 2.500000e-01 : f32
      %mul3A_31 = arith.mulf %mul3A_30, %mul3A_29 : f32
      %add3A_32 = arith.addf %mul3A_29, %mul3A_31 : f32
      %broadcast_in_dim3A_33 = vector.broadcast %add3A_32 : f32 to vector<1x1xf32>
      %swap3A_34 = arith.constant 0 : index
      %swap3A_35 = arith.constant 0 : index
      %swap3A_36 = vector.load %arg5[%swap3A_34, %swap3A_35] : memref<1x1xf32, #tpu.memory_space<vmem>>, vector<1x1xf32>
      tpu.vector_store %arg5[%swap3A_34, %swap3A_35], %broadcast_in_dim3A_33 {strides = array<i32>} : memref<1x1xf32, #tpu.memory_space<vmem>>, vector<1x1xf32>,
      %get3A_37 = arith.constant 0 : index
      %get3A_38 = arith.constant 0 : index
      %get3A_39 = arith.constant 0 : index
      %get3A_40 = vector.load %arg3[%get3A_37, %get3A_38, %get3A_39] : memref<32x1x8192xf32, #tpu.memory_space<vmem>>, vector<32x1x8192xf32>
      %reshape3A = vector.shape_cast %get3A_40 : vector<32x1x8192xf32> to vector<32x8192xf32>
      %reduce_sum3A_41 = arith.constant dense<0.000000e+00> : vector<8192xf32>
      %reduce_sum3A_42 = vector.multi_reduction <add>, %reshape3A, %reduce_sum3A_41 [0] : vector<32x8192xf32> to vector<8192xf32>
      %mul3A_43 = arith.constant 1.22070313E-4 : f32
      %mul3A_44 = vector.broadcast %mul3A_43 : f32 to vector<8192xf32>
      %mul3A_45 = arith.mulf %reduce_sum3A_42, %mul3A_44 : vector<8192xf32>
      %add3A_46 = arith.constant 1.000000e-10 : f32
      %add3A_47 = vector.broadcast %add3A_46 : f32 to vector<8192xf32>
      %add3A_48 = arith.addf %mul3A_45, %add3A_47 : vector<8192xf32>
      %log3A = math.log %add3A_48 : vector<8192xf32>
      %mul3A_49 = arith.mulf %mul3A_45, %log3A : vector<8192xf32>
      %reduce_sum3A_50 = vector.shape_cast %mul3A_49 : vector<8192xf32> to vector<1x8192xf32>
      %reduce_sum3A_51 = arith.constant dense<0.000000e+00> : vector<1xf32>
      %reduce_sum3A_52 = vector.multi_reduction <add>, %reduce_sum3A_50, %reduce_sum3A_51 [1] : vector<1x8192xf32> to vector<1xf32>
      %reduce_sum3A_53 = vector.shape_cast %reduce_sum3A_52 : vector<1xf32> to vector<1x1xf32>
      %reduce_sum3A_54 = vector.extract %reduce_sum3A_53[0, 0] : f32 from vector<1x1xf32>
      %neg3A = arith.constant 0.000000e+00 : f32
      %neg3A_55 = arith.subf %neg3A, %reduce_sum3A_54 : f32
      %exp3A = math.exp %neg3A_55 : f32
      %broadcast_in_dim3A_56 = vector.broadcast %exp3A : f32 to vector<1x1xf32>
      %swap3A_57 = arith.constant 0 : index
      %swap3A_58 = arith.constant 0 : index
      %swap3A_59 = vector.load %arg6[%swap3A_57, %swap3A_58] : memref<1x1xf32, #tpu.memory_space<vmem>>, vector<1x1xf32>
      tpu.vector_store %arg6[%swap3A_57, %swap3A_58], %broadcast_in_dim3A_56 {strides = array<i32>} : memref<1x1xf32, #tpu.memory_space<vmem>>, vector<1x1xf32>,
    } else {
    }
    return
  }
  func.func @transform_0(%arg0: i32) -> (i32, i32, i32) {
    %c0_i32 = arith.constant 0 : i32
    %c0_i32_0 = arith.constant 0 : i32
    %c0_i32_1 = arith.constant 0 : i32
    return %arg0, %c0_i32, %c0_i32_0 : i32, i32, i32
  }
  func.func @transform_1(%arg0: i32) -> (i32, i32) {
    %c0_i32 = arith.constant 0 : i32
    %c0_i32_0 = arith.constant 0 : i32
    return %arg0, %c0_i32 : i32, i32
  }
  func.func @transform_2(%arg0: i32) -> (i32, i32, i32) {
    %c0_i32 = arith.constant 0 : i32
    %c0_i32_0 = arith.constant 0 : i32
    %c0_i32_1 = arith.constant 0 : i32
    %c0_i32_2 = arith.constant 0 : i32
    return %c0_i32, %c0_i32_0, %c0_i32_1 : i32, i32, i32
  }
  func.func @transform_3(%arg0: i32) -> (i32, i32, i32) {
    %c0_i32 = arith.constant 0 : i32
    %c0_i32_0 = arith.constant 0 : i32
    %c0_i32_1 = arith.constant 0 : i32
    return %arg0, %c0_i32, %c0_i32_0 : i32, i32, i32
  }
  func.func @transform_4(%arg0: i32) -> (i32, i32) {
    %c0_i32 = arith.constant 0 : i32
    %c0_i32_0 = arith.constant 0 : i32
    %c0_i32_1 = arith.constant 0 : i32
    return %c0_i32, %c0_i32_0 : i32, i32
  }
  func.func @transform_5(%arg0: i32) -> (i32, i32) {
    %c0_i32 = arith.constant 0 : i32
    %c0_i32_0 = arith.constant 0 : i32
    %c0_i32_1 = arith.constant 0 : i32
    return %c0_i32, %c0_i32_0 : i32, i32
  }
}

</mosaic_0001>

<sc_bundles>
// kernel: kernel.5.cloned.1.call-start
scs
__scs_entry_jumppad:
0x0: {  	(pc) =	sbr.rel $0x88, $3  }
0x1: {  	(tag) =	ssettag $0x0;
	lr =	simm.s32 $0x1  }
0x2: {  	[smem:$0x3F9F] =	sst lr;
	_ =	strace $0xD0000000  }
0x3: {  	_ = 	snop  }
0x4: {  	_ = 	snop  }
0x5: {  	_ = 	snop  }
0x6: {  	_ = 	snop  }
0x7: {  	_ = 	snop  }
__scs_overlays_trampoline_lowered:
0x8: {  	[smem:$0x3FAE] =	sst s0  }
0x9: {  	[smem:$0x3FAF] =	sst s1  }
0xa: {  	[smem:$0x3FB0] =	sst s2  }
0xb: {  	[smem:$0x3FB1] =	sst s3  }
0xc: {  	[smem:$0x3FB2] =	sst s4  }
0xd: {  	[smem:$0x3FB3] =	sst s5  }
0xe: {  	[smem:$0x3FB4] =	sst s6  }
0xf: {  	[smem:$0x3FB5] =	sst s7  }
0x10: {  	[smem:$0x3FB6] =	sst s8  }
0x11: {  	[smem:$0x3FB7] =	sst s9;
	s0 =	simm.s32 @!p0 $0x0  }
0x12: {  	s1 =	sld [smem:$0x3F9D];
	s0 =	simm.s32 @p0 $0x1  }
0x13: {  	[smem:$0x3FB8] =	sst s0;
	s0 =	simm.s32 @!p1 $0x0  }
0x14: {  	s2 =	sld [smem:$0x3F9C];
	s0 =	simm.s32 @p1 $0x1  }
0x15: {  	[smem:$0x3FB9] =	sst s0;
	s0 =	simm.s32 @!p2 $0x0  }
0x16: {  	s3 =	sld [smem:$0x3FDB];
	s0 =	simm.s32 @p2 $0x1  }
0x17: {  	s4 =	simm.s32 $0x1BF5;
	[smem:$0x3FBB] =	sst s0  }
0x18: {  	s0 =	sld [smem:$0x3F9E];
	_ =	swait.ge [sflag:s4], $0x0  }
0x19: {  	s7 =	sld [smem:$0x3F9F]  }
0x1a: {  	s8 =	sadd.s32 $0xFFFFE003, lr  }
0x1b: {  	s9 =	sadd.s32 $0xFFFFFEF7, lr;
	s5 =	simm.s32 $0xFFFFFFFF;
	p2 =	slt.u32 s8, $0xFFFFF086  }
0x1c: {  	p1 =	slt.u32 s9, $0xF7A;
	s5 =	simm.s32 @!p2 $0x0  }
0x1d: {  	s5 =	simm.s32 @p1 $0x1;
	p0 =	seq.s32 s7, s2  }
0x1e: {  	s7 =	smul.u32 @!p0 $0xF7A, s2;
	p2 =	seq.s32 @!p0 s5, $0x0  }
0x1f: {  	s9 =	smul.u32 $0xF7A, s1;
	s8 =	simm.s32 @!p0 $0x1BF5;
	p2 =	por !p2, p0  }
0x20: {  	[sflag:s8] =	ssyncset.s32 @!p0 $0xFFFFF086;
	s6 =	sadd.s32 @!p0 s3, s7;
	s7 =	simm.s32 @!p0 $0x108  }
0x21: {  	s3 =	sadd.s32 s3, s9;
	s6 =	sadd.s32 @!p0 $0x88, s6;
	s7 =	simm.s32 @p2 $0x1082  }
0x22: {  	[simem:s7], [sflag:s8] =	dma.local @!p0 [hbm:s6], $0xF7A  }
0x23: {  	s9 =	sor.u32 $0xD0000000, s2;
	s6 =	simm.s32 $0x108;
	_ =	swait.ge @!p0 [sflag:s8], $0x0  }
0x24: {  	s3 =	sadd.s32 $0x88, s3;
	s6 =	simm.s32 @!p1 $0x1082;
	[sflag:s4] =	ssyncset.s32 $0xFFFFF086  }
0x25: {  	[simem:s6], [sflag:s4] =	dma.local [hbm:s3], $0xF7A  }
0x26: {  	[smem:$0x3F9F] =	sst s1;
	(tag) =	ssettag s2;
	_ =	strace s9  }
0x27: {  	s1 =	sld [smem:$0x3FAF]  }
0x28: {  	s2 =	sld [smem:$0x3FB0]  }
0x29: {  	s4 =	sld [smem:$0x3FB2]  }
0x2a: {  	p0 =	seq.s32 s5, $0x0;
	s5 =	sld [smem:$0x3FB3]  }
0x2b: {  	s6 =	sld [smem:$0x3FB4]  }
0x2c: {  	s7 =	sld [smem:$0x3FB5]  }
0x2d: {  	s3 =	simm.s32 $0x108;
	s8 =	sld [smem:$0x3FB6]  }
0x2e: {  	s3 =	simm.s32 @!p0 $0x1082;
	s9 =	sld [smem:$0x3FB7]  }
0x2f: {  	lr =	sadd.s32 s0, s3;
	s0 =	sld [smem:$0x3FAE]  }
0x30: {  	s3 =	sld [smem:$0x3FB1]  }
0x31: {  	[smem:$0x3FBA] =	sst s10  }
0x32: {  	s10 =	sld [smem:$0x3FB8];
	_ =	sdelay $0x3  }
0x33: {  	p0 =	seq.s32 s10, $0x1;
	s10 =	sld [smem:$0x3FBA];
	_ =	sdelay $0x3  }
0x34: {  	[smem:$0x3FBA] =	sst s10  }
0x35: {  	s10 =	sld [smem:$0x3FB9];
	_ =	sdelay $0x3  }
0x36: {  	p1 =	seq.s32 s10, $0x1;
	s10 =	sld [smem:$0x3FBA];
	_ =	sdelay $0x3  }
0x37: {  	[smem:$0x3FBA] =	sst s10  }
0x38: {  	s10 =	sld [smem:$0x3FBB]  }
0x39: {  	_ = 	snop;
	(pc) =	sbr.ind lr, $3  }
0x3a: {  	_ = 	snop  }
0x3b: {  	_ = 	snop  }
0x3c: {  	p2 =	seq.s32 s10, $0x1;
	s10 =	sld [smem:$0x3FBA]  }
0x3d: {  	_ =	shalt  }
0x3e: {  	_ =	shalt  }
0x3f: {  	_ =	shalt  }
0x40: {  	_ =	shalt  }
0x41: {  	_ =	shalt  }
0x42: {  	_ =	shalt  }
0x43: {  	_ =	shalt  }
0x44: {  	_ =	shalt  }
0x45: {  	_ =	shalt  }
0x46: {  	_ =	shalt  }
0x47: {  	_ =	shalt  }
0x48: {  	_ =	shalt  }
0x49: {  	_ =	shalt  }
0x4a: {  	_ =	shalt  }
0x4b: {  	_ =	shalt  }
0x4c: {  	_ =	shalt  }
0x4d: {  	_ =	shalt  }
0x4e: {  	_ =	shalt  }
0x4f: {  	_ =	shalt  }
0x50: {  	_ =	shalt  }
0x51: {  	_ =	shalt  }
0x52: {  	_ =	shalt  }
0x53: {  	_ =	shalt  }
0x54: {  	_ =	shalt  }
0x55: {  	_ =	shalt  }
0x56: {  	_ =	shalt  }
0x57: {  	_ =	shalt  }
0x58: {  	_ =	shalt  }
0x59: {  	_ =	shalt  }
0x5a: {  	_ =	shalt  }
0x5b: {  	_ =	shalt  }
0x5c: {  	_ =	shalt  }
0x5d: {  	_ =	shalt  }
0x5e: {  	_ =	shalt  }
0x5f: {  	_ =	shalt  }
0x60: {  	_ =	shalt  }
0x61: {  	_ =	shalt  }
0x62: {  	_ =	shalt  }
0x63: {  	_ =	shalt  }
0x64: {  	_ =	shalt  }
0x65: {  	_ =	shalt  }
0x66: {  	_ =	shalt  }
0x67: {  	_ =	shalt  }
0x68: {  	_ =	shalt  }
0x69: {  	_ =	shalt  }
0x6a: {  	_ =	shalt  }
0x6b: {  	_ =	shalt  }
0x6c: {  	_ =	shalt  }
0x6d: {  	_ =	shalt  }
0x6e: {  	_ =	shalt  }
0x6f: {  	_ =	shalt  }
0x70: {  	_ =	shalt  }
0x71: {  	_ =	shalt  }
0x72: {  	_ =	shalt  }
0x73: {  	_ =	shalt  }
0x74: {  	_ =	shalt  }
0x75: {  	_ =	shalt  }
0x76: {  	_ =	shalt  }
0x77: {  	_ =	shalt  }
0x78: {  	_ =	shalt  }
0x79: {  	_ =	shalt  }
0x7a: {  	_ =	shalt  }
0x7b: {  	_ =	shalt  }
0x7c: {  	_ =	shalt  }
0x7d: {  	_ =	shalt  }
0x7e: {  	_ =	shalt  }
0x7f: {  	_ =	shalt  }
0x80: {  	_ =	shalt  }
0x81: {  	_ =	shalt  }
0x82: {  	_ =	shalt  }
0x83: {  	_ =	shalt  }
0x84: {  	_ =	shalt  }
0x85: {  	_ =	shalt  }
0x86: {  	_ =	shalt  }
0x87: {  	_ =	shalt  }
.Lfunc_end0:
.L_simem_size_0:
called_computation_lowered:
.L_overlay_start_0:
0x88: {  	s2 =	sld [smem:$0x3FD9]  }
0x89: {  	s3 =	sld [smem:$0x3FFE];
	_ =	sdelay $0x1  }
0x8a: {  	s1 =	srdreg.scid  }
0x8b: {  	s0 =	sand.u32 $0x1, s1  }
0x8c: {  	s14 =	sshll.u32 s0, $0xA;
	s2 =	sadd.s32 s3, s2  }
0x8d: {  	s2 =	sadd.s32 s2, s14  }
0x8e: {  	[smem:$0x3FC6] =	sst s2  }
0x8f: {  	_ = 	snop  }
0x90: {  	s2 =	sld [smem:$0x3FD0];
	_ =	sdelay $0x2  }
0x91: {  	s4 =	simm.s32 $0xA;
	s5 =	simm.s32 $0x10;
	s15 =	sld [smem:$0x3FC8]  }
0x92: {  	[smem:s5], [sflag:s4] =	dma.local [hbm:s2], $0x1  }
0x93: {  	_ =	swait.eq [sflag:s4], $0x1  }
0x94: {  	[sflag:s4] =	ssyncset.done $0x0  }
0x95: {  	[sflag:s4] =	ssyncadd.s32 $0xFFFFFFFF  }
0x96: {  	s16 =	sld [smem:$0x11];
	(tm) =	ssettm $0x1  }
0x97: {  	s17 =	sld [smem:$0x3FFB];
	_ =	sdelay $0x3  }
0x98: {  	_ =	strace s17  }
0x99: {  	s4 =	sld [smem:$0x3FFC];
	_ =	sdelay $0x3  }
0x9a: {  	_ =	strace s4  }
0x9b: {  	s4 =	sld [smem:$0x3FFD];
	_ =	sdelay $0x3  }
0x9c: {  	_ =	strace s4  }
0x9d: {  	_ =	strace $0x8FFFFFFF  }
0x9e: {  	s18 =	sld [smem:$0x3FDB];
	_ =	sdelay $0x1  }
0x9f: {  	s19 =	simm.s32 $_scs_section_size  }
0xa0: {  	s6 =	simm.s32 $_size__tile_overlayer_lowered;
	s7 =	simm.s32 $_tile_overlayer_lowered  }
0xa1: {  	s22 =	simm.s32 $0x1BFF;
	s21 =	sshll.u32 s7, $0x1;
	s4 =	sadd.s32 s19, s18  }
0xa2: {  	s8 =	simm.s32 $0x0;
	s20 =	sshll.u32 s6, $0x1;
	s6 =	sadd.s32 s21, s4  }
0xa3: {  	[timem:s8], [sflag:s22] =	dma.local [hbm:s6], s20  }
0xa4: {  	_ =	swait.ge [sflag:s22], s20  }
0xa5: {  	s5 =	ssub.s32 $0x0, s20;
	[sflag:s22] =	ssyncset.done $0x0  }
0xa6: {  	[sflag:s22] =	ssyncadd.s32 s5;
	_ =	sdelay $0x1  }
0xa7: {  	s23 =	simm.s32 $0x1B8B  }
0xa8: {  	_ =	swait.ge [sflag:s23], $0x1  }
0xa9: {  	[sflag:s23] =	ssyncset.done $0x0  }
0xaa: {  	s25 =	simm.s32 $0x1B8E;
	s24 =	sld [smem:$0x3FFE];
	[sflag:s23] =	ssyncadd.s32 $0xFFFFFFFF  }
0xab: {  	s26 =	simm.s32 $execute0_lowered;
	[smem:$0x3FD2] =	sst s25  }
0xac: {  	s6 =	sshll.u32 s26, $0x1;
	_ =	strace $0x80000046;
	[dreg:$0x1] =	wrdreg $0xFFFFFFFF  }
0xad: {  	s28 =	simm.s32 $_size_execute0_lowered;
	s4 =	sadd.s32 s4, s6;
	[dreg:$0x0] =	wrdreg $0x0  }
0xae: {  	s6 =	sshll.u32 s28, $0x1;
	[dreg:$0x2] =	wrdreg s4  }
0xaf: {  	[dreg:$0x3] =	wrdreg s6  }
0xb0: {  	[dreg:$0x4] =	wrdreg $0xC0  }
0xb1: {  	_ =	task [dreg:s8], $0x5FFFF  }
0xb2: {  	[dreg:$0x1] =	wrdreg $0xFFFFFFFF  }
0xb3: {  	[dreg:$0x0] =	wrdreg $0x60  }
0xb4: {  	[dreg:$0x2] =	wrdreg s15  }
0xb5: {  	[dreg:$0x3] =	wrdreg s24  }
0xb6: {  	[dreg:$0x4] =	wrdreg s16  }
0xb7: {  	[dreg:$0x5] =	wrdreg $0x9  }
0xb8: {  	_ =	task.clear_ibuf [dreg:s8], $0x6FFFF;
	_ =	strace $0x90000046  }
0xb9: {  	s29 =	simm.s32 $0x9;
	_ =	strace $0x80000048  }
0xba: {  	_ =	swait.ge [sflag:s29], $0x1  }
0xbb: {  	[sflag:s29] =	ssyncadd.s32 $0xFFFFFFFF  }
0xbc: {  	_ =	strace $0x90000048  }
0xbd: {  	_ =	sfence  }
0xbe: {  	s30 =	sld [smem:$0x0];
	_ =	sdelay $0x2  }
0xbf: {  	s31 =	sshll.u32 s1, $0xD;
	s1 =	sshrl.u32 s1, $0x2  }
0xc0: {  	s3 =	sand.u32 $0x4000, s31;
	s1 =	sadd.s32 s1, s30  }
0xc1: {  	s0 =	sor.u32 s3, s0;
	s1 =	sshll.u32 s1, $0x11  }
0xc2: {  	s0 =	sor.u32 s1, s0  }
0xc3: {  	s0 =	sadd.s32 $0x8F2B, s0  }
0xc4: {  	[sflag:s0] =	ssyncadd.remote.s32 $0x1  }
0xc5: {  	_ =	sfence.sel $0xFFFF  }
0xc6: {  	[dreg:$0x0] =	wrdreg $0xFFFFFFFF;
	(pc) =	sbr.abs _section_cstart, $3  }
0xc7: {  	[dreg:$0x1] =	wrdreg $0xFFFFFFFF  }
0xc8: {  	_ =	task.clear_ibuf [dreg:s8], $0x2FFFF;
	_ =	strace $0x9FFFFFFF  }
0xc9: {  	(tm) =	ssettm $0x7FFFFFFF  }
tec
execute0_lowered:
.L_overlay_start_1:
0x0: {  	(tag) =	ssettag $0x1  }
0x1: {  	s1 =	rddreg [dreg:$0x0]  }
0x2: {  	s2 =	srdreg.scid;
	s4 =	rddreg [dreg:$0x1]  }
0x3: {  	s0 =	stileid.u32;
	s6 =	rddreg [dreg:$0x2];
	s19 =	simm.s32 $0x900  }
0x4: {  	s20 =	simm.s32 $0x1100;
	s21 =	simm.s32 $0x1900;
	s23 =	simm.s32 $0x2100  }
0x5: {  	s24 =	simm.s32 $0x2900;
	s25 =	simm.s32 $0x3100;
	s26 =	simm.s32 $0x3900  }
0x6: {  	s8 =	simm.s32 $0x4900;
	s9 =	simm.s32 $0x5100;
	s10 =	simm.s32 $0x5900  }
0x7: {  	s11 =	simm.s32 $0x6100;
	s12 =	simm.s32 $0x6900;
	s13 =	simm.s32 $0x7100  }
0x8: {  	s14 =	simm.s32 $0x7900;
	s15 =	simm.s32 $0x8100;
	s2 =	sand.u32 $0x1, s2  }
0x9: {  	s16 =	simm.s32 $0x8900;
	s3 =	sshll.u32 s0, $0x9;
	s5 =	sshll.u32 s2, $0x8  }
0xa: {  	s17 =	simm.s32 $0x9100;
	s5 =	sor.u32 s5, s3;
	s3 =	simm.s32 $0x0  }
0xb: {  	s28 =	simm.s32 $0xE100;
	s29 =	simm.s32 $0xE900;
	[smem:$0x7FF] =	sst s3  }
0xc: {  	s30 =	simm.s32 $0xF100;
	_ =	strace $0x80000047;
	[dreg:$0x6] =	wrdreg s19  }
0xd: {  	s31 =	simm.s32 $0xF900;
	s2 =	ssub.s32 $0x2, s2;
	[dreg:$0x7] =	wrdreg s20  }
0xe: {  	s22 =	sshrl.u32 s2, $0x1;
	s7 =	sshrl.u32 s5, $0x3;
	[dreg:$0x8] =	wrdreg s21  }
0xf: {  	s5 =	sshll.u32 s5, $0x5;
	s2 =	ssub.s32 s2, s22;
	[dreg:$0x9] =	wrdreg s23  }
0x10: {  	s22 =	simm.s32 $0xB900;
	s4 =	sadd.s32 s7, s4;
	[dreg:$0xa] =	wrdreg s24  }
0x11: {  	s18 =	sadd.s32 s6, s5;
	s5 =	simm.s32 $0x2;
	[dreg:$0xb] =	wrdreg s25  }
0x12: {  	s6 =	simm.s32 $0x100;
	[dreg:$0xc] =	wrdreg s26;
	s19 =	simm.s32 $0xA100  }
0x13: {  	s20 =	simm.s32 $0xA900;
	s21 =	simm.s32 $0xB100;
	s23 =	simm.s32 $0xC100  }
0x14: {  	v2 =	vlaneseq.u32;
	s24 =	simm.s32 $0xC900;
	s25 =	simm.s32 $0xD100;
	s26 =	simm.s32 $0xD900  }
0x15: {  	vm0 =	vmmov $0xffff;
	v1 =	vshrl.u32 v2, $0x3;
	s4 =	sadd.s32 $0x200, s4;
	[dreg:$0x5] =	wrdreg s18;
	s18 =	simm.s32 $0x9900  }
0x16: {  	v0 =	vand.u32 $0x7, v2;
	v2 =	vor.u32 $0x8, v2;
	v1 =	vmul.u32 $0x8, v1;
	[dreg:$0x4] =	wrdreg s4;
	s4 =	smax.u32 s2, $0x1;
	s2 =	simm.s32 $0x1  }
.LBB2_1:
0x17: {  	s0 =	rddreg [dreg:$0x4]  }
0x18: {  	[tilespmem:s3], [sflag:$0x2] =	stream.linear.gather [hbm4b:s0+s3], $0x100, $0x38;
	[tilespmem:$0x10100] =	vst v63  }
0x19: {  	_ =	swait.ge [sflag:s5], $0x100  }
0x1a: {  	[sflag:s5] =	ssyncset.done $0x0  }
0x1b: {  	[sflag:s5] =	ssyncadd.s32 $0xFFFFFF00  }
0x1c: {  	v3 =	vld [tilespmem:$0x0];
	_ =	sdelay $0x4  }
0x1d: {  	v4 =	vshll.u32 v3, $0x1  }
0x1e: {  	v3 =	vand.u32 $0x7, v3;
	v4 =	vand.u32 $0xFFFFFFF0, v4  }
0x1f: {  	v3 =	vor.u32 v3, v4  }
0x20: {  	v4 =	vperm.xlane v3, v0;
	_ =	sdelay $0x1  }
0x21: {  	v3 =	vperm.xlane v3, v2;
	v4 =	vadd.s32 v1, v4;
	_ =	sdelay $0x1  }
0x22: {  	v3 =	vadd.s32 v1, v3;
	_ =	sdelay $0x2  }
0x23: {  	[tilespmem:s6], [sflag:$0x1] =	stream.indirect_vreg.gather [hbm4b:s1+s3], $0x80, v4, vm0, $0xb8;
	[tilespmem:$0x10100] =	vst v63  }
0x24: {  	s7 =	rddreg [dreg:$0x6]  }
0x25: {  	[tilespmem:s7], [sflag:$0x1] =	stream.indirect_vreg.gather [hbm4b:s1+s3], $0x80, v3, vm0, $0xb8;
	[tilespmem:$0x10100] =	vst v63  }
0x26: {  	v3 =	vld [tilespmem:$0x10];
	_ =	sdelay $0x4  }
0x27: {  	v49 =	vshll.u32 v3, $0x1  }
0x28: {  	v3 =	vand.u32 $0x7, v3;
	v4 =	vand.u32 $0xFFFFFFF0, v49  }
0x29: {  	v3 =	vor.u32 v3, v4  }
0x2a: {  	v4 =	vperm.xlane v3, v0;
	_ =	sdelay $0x1  }
0x2b: {  	v3 =	vperm.xlane v3, v2;
	v4 =	vadd.s32 v1, v4;
	_ =	sdelay $0x1  }
0x2c: {  	v3 =	vadd.s32 v1, v3;
	_ =	sdelay $0x1  }
0x2d: {  	s0 =	rddreg [dreg:$0x7]  }
0x2e: {  	[tilespmem:s0], [sflag:$0x1] =	stream.indirect_vreg.gather [hbm4b:s1+s3], $0x80, v4, vm0, $0xb8;
	[tilespmem:$0x10100] =	vst v63  }
0x2f: {  	s7 =	rddreg [dreg:$0x8]  }
0x30: {  	[tilespmem:s7], [sflag:$0x1] =	stream.indirect_vreg.gather [hbm4b:s1+s3], $0x80, v3, vm0, $0xb8;
	[tilespmem:$0x10100] =	vst v63  }
0x31: {  	v3 =	vld [tilespmem:$0x20];
	_ =	sdelay $0x4  }
0x32: {  	v50 =	vshll.u32 v3, $0x1  }
0x33: {  	v3 =	vand.u32 $0x7, v3;
	v4 =	vand.u32 $0xFFFFFFF0, v50  }
0x34: {  	v3 =	vor.u32 v3, v4  }
0x35: {  	v4 =	vperm.xlane v3, v0;
	_ =	sdelay $0x1  }
0x36: {  	v3 =	vperm.xlane v3, v2;
	v4 =	vadd.s32 v1, v4;
	_ =	sdelay $0x1  }
0x37: {  	v3 =	vadd.s32 v1, v3;
	_ =	sdelay $0x1  }
0x38: {  	s0 =	rddreg [dreg:$0x9]  }
0x39: {  	[tilespmem:s0], [sflag:$0x1] =	stream.indirect_vreg.gather [hbm4b:s1+s3], $0x80, v4, vm0, $0xb8;
	[tilespmem:$0x10100] =	vst v63  }
0x3a: {  	s7 =	rddreg [dreg:$0xa]  }
0x3b: {  	[tilespmem:s7], [sflag:$0x1] =	stream.indirect_vreg.gather [hbm4b:s1+s3], $0x80, v3, vm0, $0xb8;
	[tilespmem:$0x10100] =	vst v63  }
0x3c: {  	v3 =	vld [tilespmem:$0x30];
	_ =	sdelay $0x4  }
0x3d: {  	v51 =	vshll.u32 v3, $0x1  }
0x3e: {  	v3 =	vand.u32 $0x7, v3;
	v4 =	vand.u32 $0xFFFFFFF0, v51  }
0x3f: {  	v3 =	vor.u32 v3, v4  }
0x40: {  	v4 =	vperm.xlane v3, v0;
	_ =	sdelay $0x1  }
0x41: {  	v3 =	vperm.xlane v3, v2;
	v4 =	vadd.s32 v1, v4;
	_ =	sdelay $0x1  }
0x42: {  	v3 =	vadd.s32 v1, v3;
	_ =	sdelay $0x1  }
0x43: {  	s0 =	rddreg [dreg:$0xb]  }
0x44: {  	[tilespmem:s0], [sflag:$0x1] =	stream.indirect_vreg.gather [hbm4b:s1+s3], $0x80, v4, vm0, $0xb8;
	[tilespmem:$0x10100] =	vst v63  }
0x45: {  	s7 =	rddreg [dreg:$0xc]  }
0x46: {  	[tilespmem:s7], [sflag:$0x1] =	stream.indirect_vreg.gather [hbm4b:s1+s3], $0x80, v3, vm0, $0xb8;
	[tilespmem:$0x10100] =	vst v63  }
0x47: {  	v3 =	vld [tilespmem:$0x40];
	_ =	sdelay $0x4  }
0x48: {  	v52 =	vshll.u32 v3, $0x1  }
0x49: {  	v3 =	vand.u32 $0x7, v3;
	v4 =	vand.u32 $0xFFFFFFF0, v52  }
0x4a: {  	v3 =	vor.u32 v3, v4  }
0x4b: {  	v4 =	vperm.xlane v3, v0;
	_ =	sdelay $0x1  }
0x4c: {  	v3 =	vperm.xlane v3, v2;
	v4 =	vadd.s32 v1, v4;
	_ =	sdelay $0x1  }
0x4d: {  	v3 =	vadd.s32 v1, v3;
	_ =	sdelay $0x1  }
0x4e: {  	s7 =	simm.s32 $0x4100  }
0x4f: {  	[tilespmem:s7], [sflag:$0x1] =	stream.indirect_vreg.gather [hbm4b:s1+s3], $0x80, v4, vm0, $0xb8;
	[tilespmem:$0x10100] =	vst v63  }
0x50: {  	_ = 	snop  }
0x51: {  	[tilespmem:s8], [sflag:$0x1] =	stream.indirect_vreg.gather [hbm4b:s1+s3], $0x80, v3, vm0, $0xb8;
	[tilespmem:$0x10100] =	vst v63  }
0x52: {  	v3 =	vld [tilespmem:$0x50];
	_ =	sdelay $0x4  }
0x53: {  	v53 =	vshll.u32 v3, $0x1  }
0x54: {  	v3 =	vand.u32 $0x7, v3;
	v4 =	vand.u32 $0xFFFFFFF0, v53  }
0x55: {  	v3 =	vor.u32 v3, v4  }
0x56: {  	v4 =	vperm.xlane v3, v0;
	_ =	sdelay $0x1  }
0x57: {  	v3 =	vperm.xlane v3, v2;
	v4 =	vadd.s32 v1, v4;
	_ =	sdelay $0x1  }
0x58: {  	v3 =	vadd.s32 v1, v3;
	_ =	sdelay $0x2  }
0x59: {  	[tilespmem:s9], [sflag:$0x1] =	stream.indirect_vreg.gather [hbm4b:s1+s3], $0x80, v4, vm0, $0xb8;
	[tilespmem:$0x10100] =	vst v63  }
0x5a: {  	_ = 	snop  }
0x5b: {  	[tilespmem:s10], [sflag:$0x1] =	stream.indirect_vreg.gather [hbm4b:s1+s3], $0x80, v3, vm0, $0xb8;
	[tilespmem:$0x10100] =	vst v63  }
0x5c: {  	v3 =	vld [tilespmem:$0x60];
	_ =	sdelay $0x4  }
0x5d: {  	v54 =	vshll.u32 v3, $0x1  }
0x5e: {  	v3 =	vand.u32 $0x7, v3;
	v4 =	vand.u32 $0xFFFFFFF0, v54  }
0x5f: {  	v3 =	vor.u32 v3, v4  }
0x60: {  	v4 =	vperm.xlane v3, v0;
	_ =	sdelay $0x1  }
0x61: {  	v3 =	vperm.xlane v3, v2;
	v4 =	vadd.s32 v1, v4;
	_ =	sdelay $0x1  }
0x62: {  	v3 =	vadd.s32 v1, v3;
	_ =	sdelay $0x2  }
0x63: {  	[tilespmem:s11], [sflag:$0x1] =	stream.indirect_vreg.gather [hbm4b:s1+s3], $0x80, v4, vm0, $0xb8;
	[tilespmem:$0x10100] =	vst v63  }
0x64: {  	_ = 	snop  }
0x65: {  	[tilespmem:s12], [sflag:$0x1] =	stream.indirect_vreg.gather [hbm4b:s1+s3], $0x80, v3, vm0, $0xb8;
	[tilespmem:$0x10100] =	vst v63  }
0x66: {  	v3 =	vld [tilespmem:$0x70];
	_ =	sdelay $0x4  }
0x67: {  	v55 =	vshll.u32 v3, $0x1  }
0x68: {  	v3 =	vand.u32 $0x7, v3;
	v4 =	vand.u32 $0xFFFFFFF0, v55  }
0x69: {  	v3 =	vor.u32 v3, v4  }
0x6a: {  	v4 =	vperm.xlane v3, v0;
	_ =	sdelay $0x1  }
0x6b: {  	v3 =	vperm.xlane v3, v2;
	v4 =	vadd.s32 v1, v4;
	_ =	sdelay $0x1  }
0x6c: {  	v3 =	vadd.s32 v1, v3;
	_ =	sdelay $0x2  }
0x6d: {  	[tilespmem:s13], [sflag:$0x1] =	stream.indirect_vreg.gather [hbm4b:s1+s3], $0x80, v4, vm0, $0xb8;
	[tilespmem:$0x10100] =	vst v63  }
0x6e: {  	_ = 	snop  }
0x6f: {  	[tilespmem:s14], [sflag:$0x1] =	stream.indirect_vreg.gather [hbm4b:s1+s3], $0x80, v3, vm0, $0xb8;
	[tilespmem:$0x10100] =	vst v63  }
0x70: {  	v3 =	vld [tilespmem:$0x80];
	_ =	sdelay $0x4  }
0x71: {  	v56 =	vshll.u32 v3, $0x1  }
0x72: {  	v3 =	vand.u32 $0x7, v3;
	v4 =	vand.u32 $0xFFFFFFF0, v56  }
0x73: {  	v3 =	vor.u32 v3, v4  }
0x74: {  	v4 =	vperm.xlane v3, v0;
	_ =	sdelay $0x1  }
0x75: {  	v3 =	vperm.xlane v3, v2;
	v4 =	vadd.s32 v1, v4;
	_ =	sdelay $0x1  }
0x76: {  	v3 =	vadd.s32 v1, v3;
	_ =	sdelay $0x2  }
0x77: {  	[tilespmem:s15], [sflag:$0x1] =	stream.indirect_vreg.gather [hbm4b:s1+s3], $0x80, v4, vm0, $0xb8;
	[tilespmem:$0x10100] =	vst v63  }
0x78: {  	_ = 	snop  }
0x79: {  	[tilespmem:s16], [sflag:$0x1] =	stream.indirect_vreg.gather [hbm4b:s1+s3], $0x80, v3, vm0, $0xb8;
	[tilespmem:$0x10100] =	vst v63  }
0x7a: {  	v3 =	vld [tilespmem:$0x90];
	_ =	sdelay $0x4  }
0x7b: {  	v57 =	vshll.u32 v3, $0x1  }
0x7c: {  	v3 =	vand.u32 $0x7, v3;
	v4 =	vand.u32 $0xFFFFFFF0, v57  }
0x7d: {  	v3 =	vor.u32 v3, v4  }
0x7e: {  	v4 =	vperm.xlane v3, v0;
	_ =	sdelay $0x1  }
0x7f: {  	v3 =	vperm.xlane v3, v2;
	v4 =	vadd.s32 v1, v4;
	_ =	sdelay $0x1  }
0x80: {  	v3 =	vadd.s32 v1, v3;
	_ =	sdelay $0x2  }
0x81: {  	[tilespmem:s17], [sflag:$0x1] =	stream.indirect_vreg.gather [hbm4b:s1+s3], $0x80, v4, vm0, $0xb8;
	[tilespmem:$0x10100] =	vst v63  }
0x82: {  	_ = 	snop  }
0x83: {  	[tilespmem:s18], [sflag:$0x1] =	stream.indirect_vreg.gather [hbm4b:s1+s3], $0x80, v3, vm0, $0xb8;
	[tilespmem:$0x10100] =	vst v63  }
0x84: {  	v3 =	vld [tilespmem:$0xA0];
	_ =	sdelay $0x4  }
0x85: {  	v58 =	vshll.u32 v3, $0x1  }
0x86: {  	v3 =	vand.u32 $0x7, v3;
	v4 =	vand.u32 $0xFFFFFFF0, v58  }
0x87: {  	v3 =	vor.u32 v3, v4  }
0x88: {  	v4 =	vperm.xlane v3, v0;
	_ =	sdelay $0x1  }
0x89: {  	v3 =	vperm.xlane v3, v2;
	v4 =	vadd.s32 v1, v4;
	_ =	sdelay $0x1  }
0x8a: {  	v3 =	vadd.s32 v1, v3;
	_ =	sdelay $0x2  }
0x8b: {  	[tilespmem:s19], [sflag:$0x1] =	stream.indirect_vreg.gather [hbm4b:s1+s3], $0x80, v4, vm0, $0xb8;
	[tilespmem:$0x10100] =	vst v63  }
0x8c: {  	_ = 	snop  }
0x8d: {  	[tilespmem:s20], [sflag:$0x1] =	stream.indirect_vreg.gather [hbm4b:s1+s3], $0x80, v3, vm0, $0xb8;
	[tilespmem:$0x10100] =	vst v63  }
0x8e: {  	v3 =	vld [tilespmem:$0xB0];
	_ =	sdelay $0x4  }
0x8f: {  	v59 =	vshll.u32 v3, $0x1  }
0x90: {  	v3 =	vand.u32 $0x7, v3;
	v4 =	vand.u32 $0xFFFFFFF0, v59  }
0x91: {  	v3 =	vor.u32 v3, v4  }
0x92: {  	v4 =	vperm.xlane v3, v0;
	_ =	sdelay $0x1  }
0x93: {  	v3 =	vperm.xlane v3, v2;
	v4 =	vadd.s32 v1, v4;
	_ =	sdelay $0x1  }
0x94: {  	v3 =	vadd.s32 v1, v3;
	_ =	sdelay $0x2  }
0x95: {  	[tilespmem:s21], [sflag:$0x1] =	stream.indirect_vreg.gather [hbm4b:s1+s3], $0x80, v4, vm0, $0xb8;
	[tilespmem:$0x10100] =	vst v63  }
0x96: {  	_ = 	snop  }
0x97: {  	[tilespmem:s22], [sflag:$0x1] =	stream.indirect_vreg.gather [hbm4b:s1+s3], $0x80, v3, vm0, $0xb8;
	[tilespmem:$0x10100] =	vst v63  }
0x98: {  	v3 =	vld [tilespmem:$0xC0];
	_ =	sdelay $0x4  }
0x99: {  	v60 =	vshll.u32 v3, $0x1  }
0x9a: {  	v3 =	vand.u32 $0x7, v3;
	v4 =	vand.u32 $0xFFFFFFF0, v60  }
0x9b: {  	v3 =	vor.u32 v3, v4  }
0x9c: {  	v4 =	vperm.xlane v3, v0;
	_ =	sdelay $0x1  }
0x9d: {  	v3 =	vperm.xlane v3, v2;
	v4 =	vadd.s32 v1, v4;
	_ =	sdelay $0x1  }
0x9e: {  	v3 =	vadd.s32 v1, v3;
	_ =	sdelay $0x2  }
0x9f: {  	[tilespmem:s23], [sflag:$0x1] =	stream.indirect_vreg.gather [hbm4b:s1+s3], $0x80, v4, vm0, $0xb8;
	[tilespmem:$0x10100] =	vst v63  }
0xa0: {  	_ = 	snop  }
0xa1: {  	[tilespmem:s24], [sflag:$0x1] =	stream.indirect_vreg.gather [hbm4b:s1+s3], $0x80, v3, vm0, $0xb8;
	[tilespmem:$0x10100] =	vst v63  }
0xa2: {  	v3 =	vld [tilespmem:$0xD0];
	_ =	sdelay $0x4  }
0xa3: {  	v61 =	vshll.u32 v3, $0x1  }
0xa4: {  	v3 =	vand.u32 $0x7, v3;
	v4 =	vand.u32 $0xFFFFFFF0, v61  }
0xa5: {  	v3 =	vor.u32 v3, v4  }
0xa6: {  	v4 =	vperm.xlane v3, v0;
	_ =	sdelay $0x1  }
0xa7: {  	v3 =	vperm.xlane v3, v2;
	v4 =	vadd.s32 v1, v4;
	_ =	sdelay $0x1  }
0xa8: {  	v3 =	vadd.s32 v1, v3;
	_ =	sdelay $0x2  }
0xa9: {  	[tilespmem:s25], [sflag:$0x1] =	stream.indirect_vreg.gather [hbm4b:s1+s3], $0x80, v4, vm0, $0xb8;
	[tilespmem:$0x10100] =	vst v63  }
0xaa: {  	_ = 	snop  }
0xab: {  	[tilespmem:s26], [sflag:$0x1] =	stream.indirect_vreg.gather [hbm4b:s1+s3], $0x80, v3, vm0, $0xb8;
	[tilespmem:$0x10100] =	vst v63  }
0xac: {  	v3 =	vld [tilespmem:$0xE0];
	_ =	sdelay $0x4  }
0xad: {  	v62 =	vshll.u32 v3, $0x1  }
0xae: {  	v3 =	vand.u32 $0x7, v3;
	v4 =	vand.u32 $0xFFFFFFF0, v62  }
0xaf: {  	v3 =	vor.u32 v3, v4  }
0xb0: {  	v4 =	vperm.xlane v3, v0;
	_ =	sdelay $0x1  }
0xb1: {  	v3 =	vperm.xlane v3, v2;
	v4 =	vadd.s32 v1, v4;
	_ =	sdelay $0x1  }
0xb2: {  	v3 =	vadd.s32 v1, v3;
	_ =	sdelay $0x2  }
0xb3: {  	[tilespmem:s28], [sflag:$0x1] =	stream.indirect_vreg.gather [hbm4b:s1+s3], $0x80, v4, vm0, $0xb8;
	[tilespmem:$0x10100] =	vst v63  }
0xb4: {  	_ = 	snop  }
0xb5: {  	[tilespmem:s29], [sflag:$0x1] =	stream.indirect_vreg.gather [hbm4b:s1+s3], $0x80, v3, vm0, $0xb8;
	[tilespmem:$0x10100] =	vst v63  }
0xb6: {  	v3 =	vld [tilespmem:$0xF0];
	_ =	sdelay $0x4  }
0xb7: {  	v63 =	vshll.u32 v3, $0x1  }
0xb8: {  	v3 =	vand.u32 $0x7, v3;
	v4 =	vand.u32 $0xFFFFFFF0, v63  }
0xb9: {  	v3 =	vor.u32 v3, v4  }
0xba: {  	v4 =	vperm.xlane v3, v0;
	_ =	sdelay $0x1  }
0xbb: {  	v3 =	vperm.xlane v3, v2;
	v4 =	vadd.s32 v1, v4;
	_ =	sdelay $0x1  }
0xbc: {  	v3 =	vadd.s32 v1, v3;
	_ =	sdelay $0x2  }
0xbd: {  	[tilespmem:s30], [sflag:$0x1] =	stream.indirect_vreg.gather [hbm4b:s1+s3], $0x80, v4, vm0, $0xb8;
	[tilespmem:$0x10100] =	vst v63  }
0xbe: {  	_ = 	snop  }
0xbf: {  	[tilespmem:s31], [sflag:$0x1] =	stream.indirect_vreg.gather [hbm4b:s1+s3], $0x80, v3, vm0, $0xb8;
	[tilespmem:$0x10100] =	vst v63  }
0xc0: {  	_ =	swait.ge [sflag:s2], $0x10000  }
0xc1: {  	p0 =	sne.s32 s4, $0x1;
	[sflag:s2] =	ssyncset.done $0x0  }
.Ltmp0:
0xc2: {  	s7 =	rddreg [dreg:$0x5];
	[sflag:s2] =	ssyncadd.s32 $0xFFFF0000;
	(pc) =	sbr.rel @p0 .LBB2_1-.Ltmp0, $4  }
0xc3: {  	[hbm4b:s7+s3] =	stream.linear.scatter [tilespmem:s6], [sflag:$0x2], $0x10000, $0x38;
	[tilespmem:$0x10100] =	vst v63  }
0xc4: {  	_ =	swait.ge [sflag:s5], $0x10000  }
0xc5: {  	[sflag:s5] =	ssyncset.done $0x0  }
0xc6: {  	s4 =	sadd.s32 $0xFFFFFFFF, s4;
	[sflag:s5] =	ssyncadd.s32 $0xFFFF0000  }
0xc7: {  	_ =	sfence.sel $0x180000  }
0xc8: {  	[bflag:$0x0] =	sbarrier.arrive $0xFFFF  }
0xc9: {  	_ =	strace $0x90000047  }
0xca: {  	s0 =	stileid.u32;
	[bflag:$0x2] =	sbarrier.arrive $0xFFFF  }
0xcb: {  	p0 =	sne.s32 s0, $0x0;
	s0 =	rddreg [dreg:$0x3]  }
0xcc: {  	s0 =	sadd.s32 @!p0 $0x100000, s0  }
0xcd: {  	[sflag:s0] =	ssyncadd.tile.s32 @!p0 $0x1;
	_ =	shalt  }
.Lfunc_end2:
_tile_overlayer_lowered:
.L_overlay_start_2:
0xce: {  	(tag) =	ssettag $0x2  }
0xcf: {  	s0 =	rddreg [dreg:$0x0];
	s2 =	stileid.u32  }
0xd0: {  	s1 =	rddreg [dreg:$0x1];
	p0 =	sne.s32 s2, $0x0  }
0xd1: {  	s3 =	rddreg [dreg:$0x2];
	[bflag:$0x3] =	sbarrier.arrive $0xFFFF;
	s2 =	simm.s32 @!p0 $0x1C02  }
0xd2: {  	[timem:s3], [sflag:s2] =	dma.local @!p0 [hbm:s0], s1  }
0xd3: {  	s0 =	simm.s32 @!p0 $0x2  }
0xd4: {  	_ =	swait.ge @!p0 [sflag:s0], s1  }
0xd5: {  	s1 =	ssub.s32 @!p0 $0x0, s1;
	[sflag:s0] =	ssyncset.done @!p0 $0x0  }
0xd6: {  	[sflag:s0] =	ssyncadd.s32 @!p0 s1  }
0xd7: {  	[bflag:$0x3] =	sbarrier.arrive $0xFFFF  }
0xd8: {  	_ =	shalt  }

</sc_bundles>
